<compile_context>
chip_gen: v7x
topology: tpu7x:2x2x1
jax: 0.10.2.dev20260603
libtpu: 0.0.44.dev20260713+nightly
codegen_flags: <defaults>
</compile_context>

<pallas_src>
import functools

import jax
import jax.numpy as jnp
from jax import lax
from jax.experimental import pallas as pl
from jax.experimental.pallas import tpu as pltpu
from jax.experimental.pallas import tpu_sc as plsc

NC = 2
NS = 16
NW = NC * NS
C = 128
R = 1000
DW = 16


def _sc_mesh():
    return plsc.VectorSubcoreMesh(
        core_axis_name="c", subcore_axis_name="s",
        num_cores=NC, num_subcores=NS)


def _sc_scatter_build(n, d, e_pad, n_acc):
    ew = e_pad // NW
    steps = ew // C
    zr = n_acc // NS

    @functools.partial(
        pl.kernel,
        out_type=jax.ShapeDtypeStruct((NC, n_acc, d), jnp.float32),
        mesh=_sc_mesh(),
        scratch_types=[
            pltpu.VMEM((C,), jnp.int32),
            pltpu.VMEM((C,), jnp.int32),
            pltpu.VMEM((C, d), jnp.float32),
            pltpu.VMEM_SHARED((n_acc, d), jnp.float32),
            pltpu.SemaphoreType.DMA,
        ],
    )
    def sc(y_hbm, src_hbm, dst_hbm, zeros_hbm, out_hbm,
           src_v, dst_v, rows_v, acc, sem):
        cid = lax.axis_index("c")
        sid = lax.axis_index("s")
        wid = sid * NC + cid
        pltpu.sync_copy(zeros_hbm, acc.at[pl.ds(sid * zr, zr)])
        plsc.subcore_barrier()
        base = wid * ew

        def body(i, carry):
            off = base + i * C
            pltpu.sync_copy(src_hbm.at[pl.ds(off, C)], src_v)
            pltpu.sync_copy(dst_hbm.at[pl.ds(off, C)], dst_v)
            pltpu.async_copy(y_hbm.at[src_v], rows_v, sem).wait()
            pltpu.sync_copy(rows_v, acc.at[dst_v], add=True)
            return carry

        lax.fori_loop(0, steps, body, 0)
        plsc.subcore_barrier()
        pltpu.sync_copy(acc.at[pl.ds(sid * zr, zr)],
                        out_hbm.at[cid, pl.ds(sid * zr, zr)])

    return sc


def _sc_deg_build(n, e_pad, n_acc):
    ew = e_pad // NW
    steps = ew // C
    zr = n_acc // NS

    @functools.partial(
        pl.kernel,
        out_type=jax.ShapeDtypeStruct((NC, n_acc, DW), jnp.float32),
        mesh=_sc_mesh(),
        scratch_types=[
            pltpu.VMEM((C,), jnp.int32),
            pltpu.VMEM((C, DW), jnp.float32),
            pltpu.VMEM_SHARED((n_acc, DW), jnp.float32),
        ],
    )
    def sc(dst_hbm, zeros_hbm, ones_hbm, out_hbm, dst_v, ones_v, acc):
        cid = lax.axis_index("c")
        sid = lax.axis_index("s")
        wid = sid * NC + cid
        pltpu.sync_copy(zeros_hbm, acc.at[pl.ds(sid * zr, zr)])
        pltpu.sync_copy(ones_hbm, ones_v)
        plsc.subcore_barrier()
        base = wid * ew

        def body(i, carry):
            off = base + i * C
            pltpu.sync_copy(dst_hbm.at[pl.ds(off, C)], dst_v)
            pltpu.sync_copy(ones_v, acc.at[dst_v], add=True)
            return carry

        lax.fori_loop(0, steps, body, 0)
        plsc.subcore_barrier()
        pltpu.sync_copy(acc.at[pl.ds(sid * zr, zr)],
                        out_hbm.at[cid, pl.ds(sid * zr, zr)])

    return sc


def _tc_pre_build(n, d):
    nb = n // R

    def body(x_b, wi_b, bi_b, w0_b, h_b, xw_b):
        h = jnp.dot(x_b[...], wi_b[...],
                    preferred_element_type=jnp.float32) + bi_b[...]
        h_b[...] = h
        xw_b[...] = jnp.dot(h, w0_b[...], preferred_element_type=jnp.float32)

    full = pl.BlockSpec((d, d), lambda i: (0, 0))
    bias = pl.BlockSpec((1, d), lambda i: (0, 0))
    rows = pl.BlockSpec((R, d), lambda i: (i, 0))
    return pl.pallas_call(
        body,
        grid=(nb,),
        in_specs=[rows, full, bias, full],
        out_specs=[rows, rows],
        out_shape=[jax.ShapeDtypeStruct((n, d), jnp.float32),
                   jax.ShapeDtypeStruct((n, d), jnp.float32)],
    )


def _tc_dinv_build(n, d):
    nb = n // R

    def body(d0_b, d1_b, xw_b, dinv_b, y_b):
        cnt = d0_b[0, :, 0:1] + d1_b[0, :, 0:1]
        dinv = lax.rsqrt(cnt + 1.0)
        dinv_b[...] = dinv
        y_b[...] = xw_b[...] * dinv

    degs = pl.BlockSpec((1, R, DW), lambda i: (0, i, 0))
    degs2 = pl.BlockSpec((1, R, DW), lambda i: (1, i, 0))
    rows = pl.BlockSpec((R, d), lambda i: (i, 0))
    col = pl.BlockSpec((R, 1), lambda i: (i, 0))
    return pl.pallas_call(
        body,
        grid=(nb,),
        in_specs=[degs, degs2, rows],
        out_specs=[col, rows],
        out_shape=[jax.ShapeDtypeStruct((n, 1), jnp.float32),
                   jax.ShapeDtypeStruct((n, d), jnp.float32)],
    )


def _tc_mid_build(n, d, with_next):
    nb = n // R

    def body(z0_b, z1_b, y_b, prev_b, dinv_b, b_b, g_b, be_b, *rest):
        if with_next:
            wn_b, h_b, yn_b = rest
        else:
            (h_b,) = rest
        dinv = dinv_b[...]
        t = (z0_b[0] + z1_b[0] + y_b[...]) * dinv + b_b[...]
        t = jnp.maximum(t, 0.0)
        mu = jnp.mean(t, axis=1, keepdims=True)
        var = jnp.mean((t - mu) ** 2, axis=1, keepdims=True)
        t = (t - mu) * lax.rsqrt(var + 1e-5) * g_b[...] + be_b[...]
        h = t + prev_b[...]
        h_b[...] = h
        if with_next:
            yn_b[...] = jnp.dot(h, wn_b[...],
                                preferred_element_type=jnp.float32) * dinv

    rows = pl.BlockSpec((R, d), lambda i: (i, 0))
    part0 = pl.BlockSpec((1, R, d), lambda i: (0, i, 0))
    part1 = pl.BlockSpec((1, R, d), lambda i: (1, i, 0))
    col = pl.BlockSpec((R, 1), lambda i: (i, 0))
    bias = pl.BlockSpec((1, d), lambda i: (0, 0))
    full = pl.BlockSpec((d, d), lambda i: (0, 0))
    in_specs = [part0, part1, rows, rows, col, bias, bias, bias]
    out_specs = [rows]
    out_shape = [jax.ShapeDtypeStruct((n, d), jnp.float32)]
    if with_next:
        in_specs.append(full)
        out_specs.append(rows)
        out_shape.append(jax.ShapeDtypeStruct((n, d), jnp.float32))
    return pl.pallas_call(
        body, grid=(nb,), in_specs=in_specs,
        out_specs=out_specs, out_shape=out_shape)


def _tc_pool_build(n, d, g_groups):
    nb = n // R

    def body(emb_b, batch_b, wo_b, bo_b, out_b, sums, cnts):
        i = pl.program_id(0)
        iota = lax.broadcasted_iota(jnp.int32, (R, g_groups), 1)
        oh = (batch_b[...] == iota).astype(jnp.float32)
        dn = (((0,), (0,)), ((), ()))
        bsum = lax.dot_general(oh, emb_b[...], dn,
                               preferred_element_type=jnp.float32)
        bcnt = lax.dot_general(oh, jnp.ones((R, d), jnp.float32), dn,
                               preferred_element_type=jnp.float32)

        @pl.when(i == 0)
        def _():
            sums[...] = bsum
            cnts[...] = bcnt

        @pl.when(i > 0)
        def _():
            sums[...] = sums[...] + bsum
            cnts[...] = cnts[...] + bcnt

        @pl.when(i == nb - 1)
        def _():
            mean = sums[...] / jnp.maximum(cnts[...], 1.0)
            out_b[...] = jnp.dot(mean, wo_b[...],
                                 preferred_element_type=jnp.float32) + bo_b[...]

    rows = pl.BlockSpec((R, d), lambda i: (i, 0))
    col = pl.BlockSpec((R, 1), lambda i: (i, 0))
    full = pl.BlockSpec((d, d), lambda i: (0, 0))
    bias = pl.BlockSpec((1, d), lambda i: (0, 0))
    gout = pl.BlockSpec((g_groups, d), lambda i: (0, 0))
    return pl.pallas_call(
        body,
        grid=(nb,),
        in_specs=[rows, col, full, bias],
        out_specs=gout,
        out_shape=jax.ShapeDtypeStruct((g_groups, d), jnp.float32),
        scratch_shapes=[pltpu.VMEM((g_groups, d), jnp.float32),
                        pltpu.VMEM((g_groups, d), jnp.float32)],
    )


def kernel(x, edge_index, batch, W_in, b_in, W0, b0, W1, b1, W2, b2,
           g0, be0, g1, be1, g2, be2, W_out, b_out):
    n, d = x.shape
    e = edge_index.shape[1]
    g_groups = 16

    e_pad = -(-e // (NW * C)) * (NW * C)
    n_acc = -(-(n + 1) // (NS * 8)) * (NS * 8)
    zr = n_acc // NS

    src = edge_index[0]
    dst = edge_index[1]
    srcp = jnp.concatenate(
        [src, jnp.zeros((e_pad - e,), jnp.int32)]) if e_pad > e else src
    dstp = jnp.concatenate(
        [dst, jnp.full((e_pad - e,), n, jnp.int32)]) if e_pad > e else dst

    zeros_w = jnp.zeros((zr, d), jnp.float32)
    zeros_d = jnp.zeros((zr, DW), jnp.float32)
    ones_d = jnp.ones((C, DW), jnp.float32)

    sc_deg = _sc_deg_build(n, e_pad, n_acc)
    sc_scatter = _sc_scatter_build(n, d, e_pad, n_acc)
    tc_pre = _tc_pre_build(n, d)
    tc_dinv = _tc_dinv_build(n, d)
    tc_mid = _tc_mid_build(n, d, True)
    tc_last = _tc_mid_build(n, d, False)
    tc_pool = _tc_pool_build(n, d, g_groups)

    b2d = lambda v: v.reshape(1, d)

    degp = sc_deg(dstp, zeros_d, ones_d)
    h0, xw1 = tc_pre(x, W_in, b2d(b_in), W0)
    dinv, y = tc_dinv(degp, degp, xw1)

    prev = h0
    zp = sc_scatter(y, srcp, dstp, zeros_w)
    h, y = tc_mid(zp, zp, y, prev, dinv, b2d(b0), b2d(g0), b2d(be0), W1)
    prev = h
    zp = sc_scatter(y, srcp, dstp, zeros_w)
    h, y = tc_mid(zp, zp, y, prev, dinv, b2d(b1), b2d(g1), b2d(be1), W2)
    prev = h
    zp = sc_scatter(y, srcp, dstp, zeros_w)
    (h,) = tc_last(zp, zp, y, prev, dinv, b2d(b2), b2d(g2), b2d(be2))

    graph = tc_pool(h, batch.reshape(n, 1), W_out, b2d(b_out))
    return graph, h

# --- scband reference (transcript-rebuilt; emitter-appended) ---
"""Pipeline reference for scband-graph-encoder-37864431681713 (READ-ONLY COPY).

The authoritative reference and input builder live on the scoring server;
editing this copy changes nothing except your own understanding.
"""

import jax, jax.numpy as jnp
import numpy as np

N = 10000
E = 320000
D = 128
G = 16

def setup_inputs(seed: int = 0) -> dict:
    key = jax.random.key(seed)
    ks = jax.random.split(key, 24)
    s = 1.0 / np.sqrt(D)
    inp = {}
    inp['x'] = jax.random.normal(ks[0], (N, D), dtype=jnp.float32)
    inp['edge_index'] = jax.random.randint(ks[1], (2, E), 0, N, dtype=jnp.int32)
    inp['batch'] = jnp.sort(jax.random.randint(ks[2], (N,), 0, G, dtype=jnp.int32))
    inp['W_in'] = jax.random.normal(ks[3], (D, D), dtype=jnp.float32) * s
    inp['b_in'] = jnp.zeros((D,), dtype=jnp.float32)
    inp['W0'] = jax.random.normal(ks[4], (D, D), dtype=jnp.float32) * s
    inp['b0'] = jnp.zeros((D,), dtype=jnp.float32)
    inp['W1'] = jax.random.normal(ks[5], (D, D), dtype=jnp.float32) * s
    inp['b1'] = jnp.zeros((D,), dtype=jnp.float32)
    inp['W2'] = jax.random.normal(ks[6], (D, D), dtype=jnp.float32) * s
    inp['b2'] = jnp.zeros((D,), dtype=jnp.float32)
    inp['g0'] = jnp.ones((D,), dtype=jnp.float32)
    inp['be0'] = jnp.zeros((D,), dtype=jnp.float32)
    inp['g1'] = jnp.ones((D,), dtype=jnp.float32)
    inp['be1'] = jnp.zeros((D,), dtype=jnp.float32)
    inp['g2'] = jnp.ones((D,), dtype=jnp.float32)
    inp['be2'] = jnp.zeros((D,), dtype=jnp.float32)
    inp['W_out'] = jax.random.normal(ks[7], (D, D), dtype=jnp.float32) * s
    inp['b_out'] = jnp.zeros((D,), dtype=jnp.float32)
    return inp

def _layer_norm(h, g, b):
    mu = jnp.mean(h, axis=-1, keepdims=True)
    var = jnp.mean((h - mu) ** 2, axis=-1, keepdims=True)
    return (h - mu) / jnp.sqrt(var + 1e-5) * g + b

def _gcn(h, src, dst, W, b, n):
    loop = jnp.arange(n, dtype=src.dtype)
    s = jnp.concatenate([src, loop])
    d = jnp.concatenate([dst, loop])
    deg = jnp.zeros((n,), h.dtype).at[d].add(1.0)
    dinv = jnp.where(deg > 0, deg ** -0.5, 0.0)
    norm = dinv[s] * dinv[d]
    xw = h @ W
    out = jnp.zeros((n, W.shape[1]), h.dtype).at[d].add(xw[s] * norm[:, None])
    return out + b

def reference(x, edge_index, batch, W_in, b_in, W0, b0, W1, b1, W2, b2, g0, be0, g1, be1, g2, be2, W_out, b_out):
    n = x.shape[0]
    src, dst = edge_index[0], edge_index[1]
    h = x @ W_in + b_in
    prev = h
    layers = [(W0, b0, g0, be0), (W1, b1, g1, be1), (W2, b2, g2, be2)]
    for (W, b, g, be) in layers:
        h = _gcn(h, src, dst, W, b, n)
        h = jax.nn.relu(h)
        h = _layer_norm(h, g, be)
        h = h + prev  # residual (dims match); dropout is identity at eval
        prev = h
    node_emb = h
    sums = jax.ops.segment_sum(node_emb, batch, num_segments=G)
    counts = jax.ops.segment_sum(jnp.ones((n,), node_emb.dtype), batch, num_segments=G)
    graph = sums / jnp.maximum(counts, 1.0)[:, None]
    graph = graph @ W_out + b_out
    return graph, node_emb

if __name__ == "__main__":
    import jax
    _d = setup_inputs()
    print(jax.jit(kernel)(*tuple(_d.values())))

</pallas_src>

<mosaic_0001>
#map = affine_map<(d0, d1) -> (0, 0)>
#map1 = affine_map<(d0, d1) -> (0)>
#map2 = affine_map<(d0, d1) -> (0, 0, 0)>
module attributes {stable_mosaic.version = 14 : i64} {
  func.func @sc(%arg0: i32, %arg1: i32, %arg2: memref<10000x128xf32, #tpu.memory_space<hbm>>, %arg3: memref<323584xi32, #tpu.memory_space<hbm>>, %arg4: memref<323584xi32, #tpu.memory_space<hbm>>, %arg5: memref<632x128xf32, #tpu.memory_space<hbm>>, %arg6: memref<2x10112x128xf32, #tpu.memory_space<hbm>>, %arg7: memref<128xi32, #tpu.memory_space<vmem>>, %arg8: memref<128xi32, #tpu.memory_space<vmem>>, %arg9: memref<128x128xf32, #tpu.memory_space<vmem>>, %arg10: memref<10112x128xf32, #tpu.memory_space<vmem_shared>>, %arg11: memref<!tpu.dma_semaphore, #tpu.memory_space<semaphore_mem>>) attributes {dimension_semantics = [#tpu.dimension_semantics<core_parallel>, #tpu.dimension_semantics<subcore_parallel>], iteration_bounds = array<i64: 2, 16>, scalar_prefetch = 0 : i64, scratch_operands = 5 : i64, tpu.core_type = #tpu.core_type<sc_vector_subcore>, window_params = [{transform_indices = #map}, {transform_indices = #map1}, {transform_indices = #map1}, {transform_indices = #map}, {transform_indices = #map2}]} {
    %mul3A = arith.constant 2 : i32
    %mul3A_0 = arith.muli %arg1, %mul3A : i32
    %add3A = arith.addi %mul3A_0, %arg0 : i32
    %mul3A_1 = arith.constant 632 : i32
    %mul3A_2 = arith.muli %arg1, %mul3A_1 : i32
    "tpu.region"() ({
      %run_scoped3A = tpu.sem_alloc : memref<!tpu.dma_semaphore, #tpu.memory_space<semaphore_mem>>
      %dma_start3A = arith.constant 0 : i32
      %dma_start3A_15 = tpu.memref_slice %arg10[%mul3A_2, %dma_start3A] : memref<10112x128xf32, #tpu.memory_space<vmem_shared>> -> memref<632x128xf32, #tpu.memory_space<vmem_shared>>
      tpu.enqueue_dma source(%arg5 : memref<632x128xf32, #tpu.memory_space<hbm>>) target(%dma_start3A_15 : memref<632x128xf32, #tpu.memory_space<vmem_shared>>) target_semaphore(%run_scoped3A : memref<!tpu.dma_semaphore, #tpu.memory_space<semaphore_mem>>)
      %dma_wait3A = arith.constant 0 : i32
      %dma_wait3A_16 = tpu.memref_slice %arg10[%mul3A_2, %dma_wait3A] : memref<10112x128xf32, #tpu.memory_space<vmem_shared>> -> memref<632x128xf32, #tpu.memory_space<vmem_shared>>
      tpu.wait_dma2 semaphore(%run_scoped3A : memref<!tpu.dma_semaphore, #tpu.memory_space<semaphore_mem>>) src(%arg5 : memref<632x128xf32, #tpu.memory_space<hbm>>) dst(%dma_wait3A_16 : memref<632x128xf32, #tpu.memory_space<vmem_shared>>)
      tpu.yield
    }) : () -> ()
    %barrier3A = arith.constant 0 : index
    tpu.barrier barrier_id(%barrier3A)
    %mul3A_3 = arith.constant 10112 : i32
    %mul3A_4 = arith.muli %add3A, %mul3A_3 : i32
    %scan3A = arith.constant 0 : i32
    %scan3A_5 = arith.constant 0 : i32
    %scan3A_6 = arith.constant 79 : i32
    %scan3A_7 = arith.addi %scan3A_5, %scan3A_6 : i32
    %scan3A_8 = arith.constant 1 : i32
    scf.for %scan3A_15 = %scan3A_5 to %scan3A_7 step %scan3A_8  : i32 {
      %mul3A_16 = arith.constant 128 : i32
      %mul3A_17 = arith.muli %scan3A_15, %mul3A_16 : i32
      %add3A_18 = arith.addi %mul3A_4, %mul3A_17 : i32
      "tpu.region"() ({
        %run_scoped3A = tpu.sem_alloc : memref<!tpu.dma_semaphore, #tpu.memory_space<semaphore_mem>>
        %dma_start3A_23 = tpu.memref_slice %arg3[%add3A_18] : memref<323584xi32, #tpu.memory_space<hbm>> -> memref<128xi32, #tpu.memory_space<hbm>>
        %dma_start3A_24 = tpu.memref_slice %arg3[%add3A_18] : memref<323584xi32, #tpu.memory_space<hbm>> -> memref<128xi32, #tpu.memory_space<hbm>>
        tpu.enqueue_dma source(%dma_start3A_24 : memref<128xi32, #tpu.memory_space<hbm>>) target(%arg7 : memref<128xi32, #tpu.memory_space<vmem>>) target_semaphore(%run_scoped3A : memref<!tpu.dma_semaphore, #tpu.memory_space<semaphore_mem>>)
        %dma_wait3A_25 = tpu.memref_slice %arg3[%add3A_18] : memref<323584xi32, #tpu.memory_space<hbm>> -> memref<128xi32, #tpu.memory_space<hbm>>
        %dma_wait3A_26 = tpu.memref_slice %arg3[%add3A_18] : memref<323584xi32, #tpu.memory_space<hbm>> -> memref<128xi32, #tpu.memory_space<hbm>>
        tpu.wait_dma2 semaphore(%run_scoped3A : memref<!tpu.dma_semaphore, #tpu.memory_space<semaphore_mem>>) src(%dma_wait3A_26 : memref<128xi32, #tpu.memory_space<hbm>>) dst(%arg7 : memref<128xi32, #tpu.memory_space<vmem>>)
        tpu.yield
      }) : () -> ()
      "tpu.region"() ({
        %run_scoped3A = tpu.sem_alloc : memref<!tpu.dma_semaphore, #tpu.memory_space<semaphore_mem>>
        %dma_start3A_23 = tpu.memref_slice %arg4[%add3A_18] : memref<323584xi32, #tpu.memory_space<hbm>> -> memref<128xi32, #tpu.memory_space<hbm>>
        %dma_start3A_24 = tpu.memref_slice %arg4[%add3A_18] : memref<323584xi32, #tpu.memory_space<hbm>> -> memref<128xi32, #tpu.memory_space<hbm>>
        tpu.enqueue_dma source(%dma_start3A_24 : memref<128xi32, #tpu.memory_space<hbm>>) target(%arg8 : memref<128xi32, #tpu.memory_space<vmem>>) target_semaphore(%run_scoped3A : memref<!tpu.dma_semaphore, #tpu.memory_space<semaphore_mem>>)
        %dma_wait3A_25 = tpu.memref_slice %arg4[%add3A_18] : memref<323584xi32, #tpu.memory_space<hbm>> -> memref<128xi32, #tpu.memory_space<hbm>>
        %dma_wait3A_26 = tpu.memref_slice %arg4[%add3A_18] : memref<323584xi32, #tpu.memory_space<hbm>> -> memref<128xi32, #tpu.memory_space<hbm>>
        tpu.wait_dma2 semaphore(%run_scoped3A : memref<!tpu.dma_semaphore, #tpu.memory_space<semaphore_mem>>) src(%dma_wait3A_26 : memref<128xi32, #tpu.memory_space<hbm>>) dst(%arg8 : memref<128xi32, #tpu.memory_space<vmem>>)
        tpu.yield
      }) : () -> ()
      %dma_start3A = arith.constant 0 : i32
      %dma_start3A_19 = arith.constant 0 : i32
      %dma_start3A_20 = tpu.memref_slice %arg2[%dma_start3A, %dma_start3A_19] : memref<10000x128xf32, #tpu.memory_space<hbm>> -> memref<10000x128xf32, #tpu.memory_space<hbm>>
      tpu.enqueue_indirect_dma source(%dma_start3A_20 : memref<10000x128xf32, #tpu.memory_space<hbm>>) target(%arg9 : memref<128x128xf32, #tpu.memory_space<vmem>>) offsets(%arg7 : memref<128xi32, #tpu.memory_space<vmem>>) semaphore(%arg11 : memref<!tpu.dma_semaphore, #tpu.memory_space<semaphore_mem>>)
      %dma_wait3A = arith.constant 0 : i32
      %dma_wait3A_21 = arith.constant 0 : i32
      %dma_wait3A_22 = tpu.memref_slice %arg2[%dma_wait3A, %dma_wait3A_21] : memref<10000x128xf32, #tpu.memory_space<hbm>> -> memref<10000x128xf32, #tpu.memory_space<hbm>>
      tpu.wait_indirect_dma semaphore(%arg11 : memref<!tpu.dma_semaphore, #tpu.memory_space<semaphore_mem>>) src(%dma_wait3A_22 : memref<10000x128xf32, #tpu.memory_space<hbm>>) dst(%arg9 : memref<128x128xf32, #tpu.memory_space<vmem>>)
      "tpu.region"() ({
        %run_scoped3A = tpu.sem_alloc : memref<!tpu.dma_semaphore, #tpu.memory_space<semaphore_mem>>
        %dma_start3A_23 = arith.constant 0 : i32
        %dma_start3A_24 = arith.constant 0 : i32
        %dma_start3A_25 = tpu.memref_slice %arg10[%dma_start3A_23, %dma_start3A_24] : memref<10112x128xf32, #tpu.memory_space<vmem_shared>> -> memref<10112x128xf32, #tpu.memory_space<vmem_shared>>
        tpu.enqueue_indirect_dma source(%arg9 : memref<128x128xf32, #tpu.memory_space<vmem>>) target(%dma_start3A_25 : memref<10112x128xf32, #tpu.memory_space<vmem_shared>>) offsets(%arg8 : memref<128xi32, #tpu.memory_space<vmem>>) semaphore(%run_scoped3A : memref<!tpu.dma_semaphore, #tpu.memory_space<semaphore_mem>>) {add = true}
        %dma_wait3A_26 = arith.constant 0 : i32
        %dma_wait3A_27 = arith.constant 0 : i32
        %dma_wait3A_28 = tpu.memref_slice %arg10[%dma_wait3A_26, %dma_wait3A_27] : memref<10112x128xf32, #tpu.memory_space<vmem_shared>> -> memref<10112x128xf32, #tpu.memory_space<vmem_shared>>
        tpu.wait_indirect_dma semaphore(%run_scoped3A : memref<!tpu.dma_semaphore, #tpu.memory_space<semaphore_mem>>) src(%arg9 : memref<128x128xf32, #tpu.memory_space<vmem>>) dst(%dma_wait3A_28 : memref<10112x128xf32, #tpu.memory_space<vmem_shared>>)
        tpu.yield
      }) : () -> ()
    }
    %scan3A_9 = arith.constant 79 : i32
    %barrier3A_10 = arith.constant 0 : index
    tpu.barrier barrier_id(%barrier3A_10)
    %mul3A_11 = arith.constant 632 : i32
    %mul3A_12 = arith.muli %arg1, %mul3A_11 : i32
    %mul3A_13 = arith.constant 632 : i32
    %mul3A_14 = arith.muli %arg1, %mul3A_13 : i32
    "tpu.region"() ({
      %run_scoped3A = tpu.sem_alloc : memref<!tpu.dma_semaphore, #tpu.memory_space<semaphore_mem>>
      %dma_start3A = arith.constant 0 : i32
      %dma_start3A_15 = tpu.memref_slice %arg6[%arg0, %mul3A_14, %dma_start3A] : memref<2x10112x128xf32, #tpu.memory_space<hbm>> -> memref<1x632x128xf32, #tpu.memory_space<hbm>>
      %dma_start3A_16 = tpu.memref_squeeze %dma_start3A_15 : memref<1x632x128xf32, #tpu.memory_space<hbm>> -> memref<632x128xf32, #tpu.memory_space<hbm>>
      %dma_start3A_17 = arith.constant 0 : i32
      %dma_start3A_18 = tpu.memref_slice %arg10[%mul3A_12, %dma_start3A_17] : memref<10112x128xf32, #tpu.memory_space<vmem_shared>> -> memref<632x128xf32, #tpu.memory_space<vmem_shared>>
      tpu.enqueue_dma source(%dma_start3A_18 : memref<632x128xf32, #tpu.memory_space<vmem_shared>>) target(%dma_start3A_16 : memref<632x128xf32, #tpu.memory_space<hbm>>) target_semaphore(%run_scoped3A : memref<!tpu.dma_semaphore, #tpu.memory_space<semaphore_mem>>)
      %dma_wait3A = arith.constant 0 : i32
      %dma_wait3A_19 = tpu.memref_slice %arg6[%arg0, %mul3A_14, %dma_wait3A] : memref<2x10112x128xf32, #tpu.memory_space<hbm>> -> memref<1x632x128xf32, #tpu.memory_space<hbm>>
      %dma_wait3A_20 = tpu.memref_squeeze %dma_wait3A_19 : memref<1x632x128xf32, #tpu.memory_space<hbm>> -> memref<632x128xf32, #tpu.memory_space<hbm>>
      %dma_wait3A_21 = arith.constant 0 : i32
      %dma_wait3A_22 = tpu.memref_slice %arg10[%mul3A_12, %dma_wait3A_21] : memref<10112x128xf32, #tpu.memory_space<vmem_shared>> -> memref<632x128xf32, #tpu.memory_space<vmem_shared>>
      tpu.wait_dma2 semaphore(%run_scoped3A : memref<!tpu.dma_semaphore, #tpu.memory_space<semaphore_mem>>) src(%dma_wait3A_22 : memref<632x128xf32, #tpu.memory_space<vmem_shared>>) dst(%dma_wait3A_20 : memref<632x128xf32, #tpu.memory_space<hbm>>)
      tpu.yield
    }) : () -> ()
    return
  }
}

#map = affine_map<(d0, d1) -> (0, 0)>
#map1 = affine_map<(d0, d1) -> (0)>
#map2 = affine_map<(d0, d1) -> (0, 0, 0)>
module attributes {stable_mosaic.version = 14 : i64} {
  func.func @sc(%arg0: i32, %arg1: i32, %arg2: memref<10000x128xf32, #tpu.memory_space<hbm>>, %arg3: memref<323584xi32, #tpu.memory_space<hbm>>, %arg4: memref<323584xi32, #tpu.memory_space<hbm>>, %arg5: memref<632x128xf32, #tpu.memory_space<hbm>>, %arg6: memref<2x10112x128xf32, #tpu.memory_space<hbm>>, %arg7: memref<128xi32, #tpu.memory_space<vmem>>, %arg8: memref<128xi32, #tpu.memory_space<vmem>>, %arg9: memref<128x128xf32, #tpu.memory_space<vmem>>, %arg10: memref<10112x128xf32, #tpu.memory_space<vmem_shared>>, %arg11: memref<!tpu.dma_semaphore, #tpu.memory_space<semaphore_mem>>) attributes {dimension_semantics = [#tpu.dimension_semantics<core_parallel>, #tpu.dimension_semantics<subcore_parallel>], iteration_bounds = array<i64: 2, 16>, scalar_prefetch = 0 : i64, scratch_operands = 5 : i64, tpu.core_type = #tpu.core_type<sc_vector_subcore>, window_params = [{transform_indices = #map}, {transform_indices = #map1}, {transform_indices = #map1}, {transform_indices = #map}, {transform_indices = #map2}]} {
    %mul3A = arith.constant 2 : i32
    %mul3A_0 = arith.muli %arg1, %mul3A : i32
    %add3A = arith.addi %mul3A_0, %arg0 : i32
    %mul3A_1 = arith.constant 632 : i32
    %mul3A_2 = arith.muli %arg1, %mul3A_1 : i32
    "tpu.region"() ({
      %run_scoped3A = tpu.sem_alloc : memref<!tpu.dma_semaphore, #tpu.memory_space<semaphore_mem>>
      %dma_start3A = arith.constant 0 : i32
      %dma_start3A_15 = tpu.memref_slice %arg10[%mul3A_2, %dma_start3A] : memref<10112x128xf32, #tpu.memory_space<vmem_shared>> -> memref<632x128xf32, #tpu.memory_space<vmem_shared>>
      tpu.enqueue_dma source(%arg5 : memref<632x128xf32, #tpu.memory_space<hbm>>) target(%dma_start3A_15 : memref<632x128xf32, #tpu.memory_space<vmem_shared>>) target_semaphore(%run_scoped3A : memref<!tpu.dma_semaphore, #tpu.memory_space<semaphore_mem>>)
      %dma_wait3A = arith.constant 0 : i32
      %dma_wait3A_16 = tpu.memref_slice %arg10[%mul3A_2, %dma_wait3A] : memref<10112x128xf32, #tpu.memory_space<vmem_shared>> -> memref<632x128xf32, #tpu.memory_space<vmem_shared>>
      tpu.wait_dma2 semaphore(%run_scoped3A : memref<!tpu.dma_semaphore, #tpu.memory_space<semaphore_mem>>) src(%arg5 : memref<632x128xf32, #tpu.memory_space<hbm>>) dst(%dma_wait3A_16 : memref<632x128xf32, #tpu.memory_space<vmem_shared>>)
      tpu.yield
    }) : () -> ()
    %barrier3A = arith.constant 0 : index
    tpu.barrier barrier_id(%barrier3A)
    %mul3A_3 = arith.constant 10112 : i32
    %mul3A_4 = arith.muli %add3A, %mul3A_3 : i32
    %scan3A = arith.constant 0 : i32
    %scan3A_5 = arith.constant 0 : i32
    %scan3A_6 = arith.constant 79 : i32
    %scan3A_7 = arith.addi %scan3A_5, %scan3A_6 : i32
    %scan3A_8 = arith.constant 1 : i32
    scf.for %scan3A_15 = %scan3A_5 to %scan3A_7 step %scan3A_8  : i32 {
      %mul3A_16 = arith.constant 128 : i32
      %mul3A_17 = arith.muli %scan3A_15, %mul3A_16 : i32
      %add3A_18 = arith.addi %mul3A_4, %mul3A_17 : i32
      "tpu.region"() ({
        %run_scoped3A = tpu.sem_alloc : memref<!tpu.dma_semaphore, #tpu.memory_space<semaphore_mem>>
        %dma_start3A_23 = tpu.memref_slice %arg3[%add3A_18] : memref<323584xi32, #tpu.memory_space<hbm>> -> memref<128xi32, #tpu.memory_space<hbm>>
        %dma_start3A_24 = tpu.memref_slice %arg3[%add3A_18] : memref<323584xi32, #tpu.memory_space<hbm>> -> memref<128xi32, #tpu.memory_space<hbm>>
        tpu.enqueue_dma source(%dma_start3A_24 : memref<128xi32, #tpu.memory_space<hbm>>) target(%arg7 : memref<128xi32, #tpu.memory_space<vmem>>) target_semaphore(%run_scoped3A : memref<!tpu.dma_semaphore, #tpu.memory_space<semaphore_mem>>)
        %dma_wait3A_25 = tpu.memref_slice %arg3[%add3A_18] : memref<323584xi32, #tpu.memory_space<hbm>> -> memref<128xi32, #tpu.memory_space<hbm>>
        %dma_wait3A_26 = tpu.memref_slice %arg3[%add3A_18] : memref<323584xi32, #tpu.memory_space<hbm>> -> memref<128xi32, #tpu.memory_space<hbm>>
        tpu.wait_dma2 semaphore(%run_scoped3A : memref<!tpu.dma_semaphore, #tpu.memory_space<semaphore_mem>>) src(%dma_wait3A_26 : memref<128xi32, #tpu.memory_space<hbm>>) dst(%arg7 : memref<128xi32, #tpu.memory_space<vmem>>)
        tpu.yield
      }) : () -> ()
      "tpu.region"() ({
        %run_scoped3A = tpu.sem_alloc : memref<!tpu.dma_semaphore, #tpu.memory_space<semaphore_mem>>
        %dma_start3A_23 = tpu.memref_slice %arg4[%add3A_18] : memref<323584xi32, #tpu.memory_space<hbm>> -> memref<128xi32, #tpu.memory_space<hbm>>
        %dma_start3A_24 = tpu.memref_slice %arg4[%add3A_18] : memref<323584xi32, #tpu.memory_space<hbm>> -> memref<128xi32, #tpu.memory_space<hbm>>
        tpu.enqueue_dma source(%dma_start3A_24 : memref<128xi32, #tpu.memory_space<hbm>>) target(%arg8 : memref<128xi32, #tpu.memory_space<vmem>>) target_semaphore(%run_scoped3A : memref<!tpu.dma_semaphore, #tpu.memory_space<semaphore_mem>>)
        %dma_wait3A_25 = tpu.memref_slice %arg4[%add3A_18] : memref<323584xi32, #tpu.memory_space<hbm>> -> memref<128xi32, #tpu.memory_space<hbm>>
        %dma_wait3A_26 = tpu.memref_slice %arg4[%add3A_18] : memref<323584xi32, #tpu.memory_space<hbm>> -> memref<128xi32, #tpu.memory_space<hbm>>
        tpu.wait_dma2 semaphore(%run_scoped3A : memref<!tpu.dma_semaphore, #tpu.memory_space<semaphore_mem>>) src(%dma_wait3A_26 : memref<128xi32, #tpu.memory_space<hbm>>) dst(%arg8 : memref<128xi32, #tpu.memory_space<vmem>>)
        tpu.yield
      }) : () -> ()
      %dma_start3A = arith.constant 0 : i32
      %dma_start3A_19 = arith.constant 0 : i32
      %dma_start3A_20 = tpu.memref_slice %arg2[%dma_start3A, %dma_start3A_19] : memref<10000x128xf32, #tpu.memory_space<hbm>> -> memref<10000x128xf32, #tpu.memory_space<hbm>>
      tpu.enqueue_indirect_dma source(%dma_start3A_20 : memref<10000x128xf32, #tpu.memory_space<hbm>>) target(%arg9 : memref<128x128xf32, #tpu.memory_space<vmem>>) offsets(%arg7 : memref<128xi32, #tpu.memory_space<vmem>>) semaphore(%arg11 : memref<!tpu.dma_semaphore, #tpu.memory_space<semaphore_mem>>)
      %dma_wait3A = arith.constant 0 : i32
      %dma_wait3A_21 = arith.constant 0 : i32
      %dma_wait3A_22 = tpu.memref_slice %arg2[%dma_wait3A, %dma_wait3A_21] : memref<10000x128xf32, #tpu.memory_space<hbm>> -> memref<10000x128xf32, #tpu.memory_space<hbm>>
      tpu.wait_indirect_dma semaphore(%arg11 : memref<!tpu.dma_semaphore, #tpu.memory_space<semaphore_mem>>) src(%dma_wait3A_22 : memref<10000x128xf32, #tpu.memory_space<hbm>>) dst(%arg9 : memref<128x128xf32, #tpu.memory_space<vmem>>)
      "tpu.region"() ({
        %run_scoped3A = tpu.sem_alloc : memref<!tpu.dma_semaphore, #tpu.memory_space<semaphore_mem>>
        %dma_start3A_23 = arith.constant 0 : i32
        %dma_start3A_24 = arith.constant 0 : i32
        %dma_start3A_25 = tpu.memref_slice %arg10[%dma_start3A_23, %dma_start3A_24] : memref<10112x128xf32, #tpu.memory_space<vmem_shared>> -> memref<10112x128xf32, #tpu.memory_space<vmem_shared>>
        tpu.enqueue_indirect_dma source(%arg9 : memref<128x128xf32, #tpu.memory_space<vmem>>) target(%dma_start3A_25 : memref<10112x128xf32, #tpu.memory_space<vmem_shared>>) offsets(%arg8 : memref<128xi32, #tpu.memory_space<vmem>>) semaphore(%run_scoped3A : memref<!tpu.dma_semaphore, #tpu.memory_space<semaphore_mem>>) {add = true}
        %dma_wait3A_26 = arith.constant 0 : i32
        %dma_wait3A_27 = arith.constant 0 : i32
        %dma_wait3A_28 = tpu.memref_slice %arg10[%dma_wait3A_26, %dma_wait3A_27] : memref<10112x128xf32, #tpu.memory_space<vmem_shared>> -> memref<10112x128xf32, #tpu.memory_space<vmem_shared>>
        tpu.wait_indirect_dma semaphore(%run_scoped3A : memref<!tpu.dma_semaphore, #tpu.memory_space<semaphore_mem>>) src(%arg9 : memref<128x128xf32, #tpu.memory_space<vmem>>) dst(%dma_wait3A_28 : memref<10112x128xf32, #tpu.memory_space<vmem_shared>>)
        tpu.yield
      }) : () -> ()
    }
    %scan3A_9 = arith.constant 79 : i32
    %barrier3A_10 = arith.constant 0 : index
    tpu.barrier barrier_id(%barrier3A_10)
    %mul3A_11 = arith.constant 632 : i32
    %mul3A_12 = arith.muli %arg1, %mul3A_11 : i32
    %mul3A_13 = arith.constant 632 : i32
    %mul3A_14 = arith.muli %arg1, %mul3A_13 : i32
    "tpu.region"() ({
      %run_scoped3A = tpu.sem_alloc : memref<!tpu.dma_semaphore, #tpu.memory_space<semaphore_mem>>
      %dma_start3A = arith.constant 0 : i32
      %dma_start3A_15 = tpu.memref_slice %arg6[%arg0, %mul3A_14, %dma_start3A] : memref<2x10112x128xf32, #tpu.memory_space<hbm>> -> memref<1x632x128xf32, #tpu.memory_space<hbm>>
      %dma_start3A_16 = tpu.memref_squeeze %dma_start3A_15 : memref<1x632x128xf32, #tpu.memory_space<hbm>> -> memref<632x128xf32, #tpu.memory_space<hbm>>
      %dma_start3A_17 = arith.constant 0 : i32
      %dma_start3A_18 = tpu.memref_slice %arg10[%mul3A_12, %dma_start3A_17] : memref<10112x128xf32, #tpu.memory_space<vmem_shared>> -> memref<632x128xf32, #tpu.memory_space<vmem_shared>>
      tpu.enqueue_dma source(%dma_start3A_18 : memref<632x128xf32, #tpu.memory_space<vmem_shared>>) target(%dma_start3A_16 : memref<632x128xf32, #tpu.memory_space<hbm>>) target_semaphore(%run_scoped3A : memref<!tpu.dma_semaphore, #tpu.memory_space<semaphore_mem>>)
      %dma_wait3A = arith.constant 0 : i32
      %dma_wait3A_19 = tpu.memref_slice %arg6[%arg0, %mul3A_14, %dma_wait3A] : memref<2x10112x128xf32, #tpu.memory_space<hbm>> -> memref<1x632x128xf32, #tpu.memory_space<hbm>>
      %dma_wait3A_20 = tpu.memref_squeeze %dma_wait3A_19 : memref<1x632x128xf32, #tpu.memory_space<hbm>> -> memref<632x128xf32, #tpu.memory_space<hbm>>
      %dma_wait3A_21 = arith.constant 0 : i32
      %dma_wait3A_22 = tpu.memref_slice %arg10[%mul3A_12, %dma_wait3A_21] : memref<10112x128xf32, #tpu.memory_space<vmem_shared>> -> memref<632x128xf32, #tpu.memory_space<vmem_shared>>
      tpu.wait_dma2 semaphore(%run_scoped3A : memref<!tpu.dma_semaphore, #tpu.memory_space<semaphore_mem>>) src(%dma_wait3A_22 : memref<632x128xf32, #tpu.memory_space<vmem_shared>>) dst(%dma_wait3A_20 : memref<632x128xf32, #tpu.memory_space<hbm>>)
      tpu.yield
    }) : () -> ()
    return
  }
}

#map = affine_map<(d0, d1) -> (0)>
#map1 = affine_map<(d0, d1) -> (0, 0)>
#map2 = affine_map<(d0, d1) -> (0, 0, 0)>
module attributes {stable_mosaic.version = 14 : i64} {
  func.func @sc(%arg0: i32, %arg1: i32, %arg2: memref<323584xi32, #tpu.memory_space<hbm>>, %arg3: memref<632x16xf32, #tpu.memory_space<hbm>>, %arg4: memref<128x16xf32, #tpu.memory_space<hbm>>, %arg5: memref<2x10112x16xf32, #tpu.memory_space<hbm>>, %arg6: memref<128xi32, #tpu.memory_space<vmem>>, %arg7: memref<128x16xf32, #tpu.memory_space<vmem>>, %arg8: memref<10112x16xf32, #tpu.memory_space<vmem_shared>>) attributes {dimension_semantics = [#tpu.dimension_semantics<core_parallel>, #tpu.dimension_semantics<subcore_parallel>], iteration_bounds = array<i64: 2, 16>, scalar_prefetch = 0 : i64, scratch_operands = 3 : i64, tpu.core_type = #tpu.core_type<sc_vector_subcore>, window_params = [{transform_indices = #map}, {transform_indices = #map1}, {transform_indices = #map1}, {transform_indices = #map2}]} {
    %mul3A = arith.constant 2 : i32
    %mul3A_0 = arith.muli %arg1, %mul3A : i32
    %add3A = arith.addi %mul3A_0, %arg0 : i32
    %mul3A_1 = arith.constant 632 : i32
    %mul3A_2 = arith.muli %arg1, %mul3A_1 : i32
    "tpu.region"() ({
      %run_scoped3A = tpu.sem_alloc : memref<!tpu.dma_semaphore, #tpu.memory_space<semaphore_mem>>
      %dma_start3A = arith.constant 0 : i32
      %dma_start3A_15 = tpu.memref_slice %arg8[%mul3A_2, %dma_start3A] : memref<10112x16xf32, #tpu.memory_space<vmem_shared>> -> memref<632x16xf32, #tpu.memory_space<vmem_shared>>
      tpu.enqueue_dma source(%arg3 : memref<632x16xf32, #tpu.memory_space<hbm>>) target(%dma_start3A_15 : memref<632x16xf32, #tpu.memory_space<vmem_shared>>) target_semaphore(%run_scoped3A : memref<!tpu.dma_semaphore, #tpu.memory_space<semaphore_mem>>)
      %dma_wait3A = arith.constant 0 : i32
      %dma_wait3A_16 = tpu.memref_slice %arg8[%mul3A_2, %dma_wait3A] : memref<10112x16xf32, #tpu.memory_space<vmem_shared>> -> memref<632x16xf32, #tpu.memory_space<vmem_shared>>
      tpu.wait_dma2 semaphore(%run_scoped3A : memref<!tpu.dma_semaphore, #tpu.memory_space<semaphore_mem>>) src(%arg3 : memref<632x16xf32, #tpu.memory_space<hbm>>) dst(%dma_wait3A_16 : memref<632x16xf32, #tpu.memory_space<vmem_shared>>)
      tpu.yield
    }) : () -> ()
    "tpu.region"() ({
      %run_scoped3A = tpu.sem_alloc : memref<!tpu.dma_semaphore, #tpu.memory_space<semaphore_mem>>
      tpu.enqueue_dma source(%arg4 : memref<128x16xf32, #tpu.memory_space<hbm>>) target(%arg7 : memref<128x16xf32, #tpu.memory_space<vmem>>) target_semaphore(%run_scoped3A : memref<!tpu.dma_semaphore, #tpu.memory_space<semaphore_mem>>)
      tpu.wait_dma2 semaphore(%run_scoped3A : memref<!tpu.dma_semaphore, #tpu.memory_space<semaphore_mem>>) src(%arg4 : memref<128x16xf32, #tpu.memory_space<hbm>>) dst(%arg7 : memref<128x16xf32, #tpu.memory_space<vmem>>)
      tpu.yield
    }) : () -> ()
    %barrier3A = arith.constant 0 : index
    tpu.barrier barrier_id(%barrier3A)
    %mul3A_3 = arith.constant 10112 : i32
    %mul3A_4 = arith.muli %add3A, %mul3A_3 : i32
    %scan3A = arith.constant 0 : i32
    %scan3A_5 = arith.constant 0 : i32
    %scan3A_6 = arith.constant 79 : i32
    %scan3A_7 = arith.addi %scan3A_5, %scan3A_6 : i32
    %scan3A_8 = arith.constant 1 : i32
    scf.for %scan3A_15 = %scan3A_5 to %scan3A_7 step %scan3A_8  : i32 {
      %mul3A_16 = arith.constant 128 : i32
      %mul3A_17 = arith.muli %scan3A_15, %mul3A_16 : i32
      %add3A_18 = arith.addi %mul3A_4, %mul3A_17 : i32
      "tpu.region"() ({
        %run_scoped3A = tpu.sem_alloc : memref<!tpu.dma_semaphore, #tpu.memory_space<semaphore_mem>>
        %dma_start3A = tpu.memref_slice %arg2[%add3A_18] : memref<323584xi32, #tpu.memory_space<hbm>> -> memref<128xi32, #tpu.memory_space<hbm>>
        %dma_start3A_19 = tpu.memref_slice %arg2[%add3A_18] : memref<323584xi32, #tpu.memory_space<hbm>> -> memref<128xi32, #tpu.memory_space<hbm>>
        tpu.enqueue_dma source(%dma_start3A_19 : memref<128xi32, #tpu.memory_space<hbm>>) target(%arg6 : memref<128xi32, #tpu.memory_space<vmem>>) target_semaphore(%run_scoped3A : memref<!tpu.dma_semaphore, #tpu.memory_space<semaphore_mem>>)
        %dma_wait3A = tpu.memref_slice %arg2[%add3A_18] : memref<323584xi32, #tpu.memory_space<hbm>> -> memref<128xi32, #tpu.memory_space<hbm>>
        %dma_wait3A_20 = tpu.memref_slice %arg2[%add3A_18] : memref<323584xi32, #tpu.memory_space<hbm>> -> memref<128xi32, #tpu.memory_space<hbm>>
        tpu.wait_dma2 semaphore(%run_scoped3A : memref<!tpu.dma_semaphore, #tpu.memory_space<semaphore_mem>>) src(%dma_wait3A_20 : memref<128xi32, #tpu.memory_space<hbm>>) dst(%arg6 : memref<128xi32, #tpu.memory_space<vmem>>)
        tpu.yield
      }) : () -> ()
      "tpu.region"() ({
        %run_scoped3A = tpu.sem_alloc : memref<!tpu.dma_semaphore, #tpu.memory_space<semaphore_mem>>
        %dma_start3A = arith.constant 0 : i32
        %dma_start3A_19 = arith.constant 0 : i32
        %dma_start3A_20 = tpu.memref_slice %arg8[%dma_start3A, %dma_start3A_19] : memref<10112x16xf32, #tpu.memory_space<vmem_shared>> -> memref<10112x16xf32, #tpu.memory_space<vmem_shared>>
        tpu.enqueue_indirect_dma source(%arg7 : memref<128x16xf32, #tpu.memory_space<vmem>>) target(%dma_start3A_20 : memref<10112x16xf32, #tpu.memory_space<vmem_shared>>) offsets(%arg6 : memref<128xi32, #tpu.memory_space<vmem>>) semaphore(%run_scoped3A : memref<!tpu.dma_semaphore, #tpu.memory_space<semaphore_mem>>) {add = true}
        %dma_wait3A = arith.constant 0 : i32
        %dma_wait3A_21 = arith.constant 0 : i32
        %dma_wait3A_22 = tpu.memref_slice %arg8[%dma_wait3A, %dma_wait3A_21] : memref<10112x16xf32, #tpu.memory_space<vmem_shared>> -> memref<10112x16xf32, #tpu.memory_space<vmem_shared>>
        tpu.wait_indirect_dma semaphore(%run_scoped3A : memref<!tpu.dma_semaphore, #tpu.memory_space<semaphore_mem>>) src(%arg7 : memref<128x16xf32, #tpu.memory_space<vmem>>) dst(%dma_wait3A_22 : memref<10112x16xf32, #tpu.memory_space<vmem_shared>>)
        tpu.yield
      }) : () -> ()
    }
    %scan3A_9 = arith.constant 79 : i32
    %barrier3A_10 = arith.constant 0 : index
    tpu.barrier barrier_id(%barrier3A_10)
    %mul3A_11 = arith.constant 632 : i32
    %mul3A_12 = arith.muli %arg1, %mul3A_11 : i32
    %mul3A_13 = arith.constant 632 : i32
    %mul3A_14 = arith.muli %arg1, %mul3A_13 : i32
    "tpu.region"() ({
      %run_scoped3A = tpu.sem_alloc : memref<!tpu.dma_semaphore, #tpu.memory_space<semaphore_mem>>
      %dma_start3A = arith.constant 0 : i32
      %dma_start3A_15 = tpu.memref_slice %arg5[%arg0, %mul3A_14, %dma_start3A] : memref<2x10112x16xf32, #tpu.memory_space<hbm>> -> memref<1x632x16xf32, #tpu.memory_space<hbm>>
      %dma_start3A_16 = tpu.memref_squeeze %dma_start3A_15 : memref<1x632x16xf32, #tpu.memory_space<hbm>> -> memref<632x16xf32, #tpu.memory_space<hbm>>
      %dma_start3A_17 = arith.constant 0 : i32
      %dma_start3A_18 = tpu.memref_slice %arg8[%mul3A_12, %dma_start3A_17] : memref<10112x16xf32, #tpu.memory_space<vmem_shared>> -> memref<632x16xf32, #tpu.memory_space<vmem_shared>>
      tpu.enqueue_dma source(%dma_start3A_18 : memref<632x16xf32, #tpu.memory_space<vmem_shared>>) target(%dma_start3A_16 : memref<632x16xf32, #tpu.memory_space<hbm>>) target_semaphore(%run_scoped3A : memref<!tpu.dma_semaphore, #tpu.memory_space<semaphore_mem>>)
      %dma_wait3A = arith.constant 0 : i32
      %dma_wait3A_19 = tpu.memref_slice %arg5[%arg0, %mul3A_14, %dma_wait3A] : memref<2x10112x16xf32, #tpu.memory_space<hbm>> -> memref<1x632x16xf32, #tpu.memory_space<hbm>>
      %dma_wait3A_20 = tpu.memref_squeeze %dma_wait3A_19 : memref<1x632x16xf32, #tpu.memory_space<hbm>> -> memref<632x16xf32, #tpu.memory_space<hbm>>
      %dma_wait3A_21 = arith.constant 0 : i32
      %dma_wait3A_22 = tpu.memref_slice %arg8[%mul3A_12, %dma_wait3A_21] : memref<10112x16xf32, #tpu.memory_space<vmem_shared>> -> memref<632x16xf32, #tpu.memory_space<vmem_shared>>
      tpu.wait_dma2 semaphore(%run_scoped3A : memref<!tpu.dma_semaphore, #tpu.memory_space<semaphore_mem>>) src(%dma_wait3A_22 : memref<632x16xf32, #tpu.memory_space<vmem_shared>>) dst(%dma_wait3A_20 : memref<632x16xf32, #tpu.memory_space<hbm>>)
      tpu.yield
    }) : () -> ()
    return
  }
}

#map = affine_map<(d0, d1) -> (0, 0)>
#map1 = affine_map<(d0, d1) -> (0)>
#map2 = affine_map<(d0, d1) -> (0, 0, 0)>
module attributes {stable_mosaic.version = 14 : i64} {
  func.func @sc(%arg0: i32, %arg1: i32, %arg2: memref<10000x128xf32, #tpu.memory_space<hbm>>, %arg3: memref<323584xi32, #tpu.memory_space<hbm>>, %arg4: memref<323584xi32, #tpu.memory_space<hbm>>, %arg5: memref<632x128xf32, #tpu.memory_space<hbm>>, %arg6: memref<2x10112x128xf32, #tpu.memory_space<hbm>>, %arg7: memref<128xi32, #tpu.memory_space<vmem>>, %arg8: memref<128xi32, #tpu.memory_space<vmem>>, %arg9: memref<128x128xf32, #tpu.memory_space<vmem>>, %arg10: memref<10112x128xf32, #tpu.memory_space<vmem_shared>>, %arg11: memref<!tpu.dma_semaphore, #tpu.memory_space<semaphore_mem>>) attributes {dimension_semantics = [#tpu.dimension_semantics<core_parallel>, #tpu.dimension_semantics<subcore_parallel>], iteration_bounds = array<i64: 2, 16>, scalar_prefetch = 0 : i64, scratch_operands = 5 : i64, tpu.core_type = #tpu.core_type<sc_vector_subcore>, window_params = [{transform_indices = #map}, {transform_indices = #map1}, {transform_indices = #map1}, {transform_indices = #map}, {transform_indices = #map2}]} {
    %mul3A = arith.constant 2 : i32
    %mul3A_0 = arith.muli %arg1, %mul3A : i32
    %add3A = arith.addi %mul3A_0, %arg0 : i32
    %mul3A_1 = arith.constant 632 : i32
    %mul3A_2 = arith.muli %arg1, %mul3A_1 : i32
    "tpu.region"() ({
      %run_scoped3A = tpu.sem_alloc : memref<!tpu.dma_semaphore, #tpu.memory_space<semaphore_mem>>
      %dma_start3A = arith.constant 0 : i32
      %dma_start3A_15 = tpu.memref_slice %arg10[%mul3A_2, %dma_start3A] : memref<10112x128xf32, #tpu.memory_space<vmem_shared>> -> memref<632x128xf32, #tpu.memory_space<vmem_shared>>
      tpu.enqueue_dma source(%arg5 : memref<632x128xf32, #tpu.memory_space<hbm>>) target(%dma_start3A_15 : memref<632x128xf32, #tpu.memory_space<vmem_shared>>) target_semaphore(%run_scoped3A : memref<!tpu.dma_semaphore, #tpu.memory_space<semaphore_mem>>)
      %dma_wait3A = arith.constant 0 : i32
      %dma_wait3A_16 = tpu.memref_slice %arg10[%mul3A_2, %dma_wait3A] : memref<10112x128xf32, #tpu.memory_space<vmem_shared>> -> memref<632x128xf32, #tpu.memory_space<vmem_shared>>
      tpu.wait_dma2 semaphore(%run_scoped3A : memref<!tpu.dma_semaphore, #tpu.memory_space<semaphore_mem>>) src(%arg5 : memref<632x128xf32, #tpu.memory_space<hbm>>) dst(%dma_wait3A_16 : memref<632x128xf32, #tpu.memory_space<vmem_shared>>)
      tpu.yield
    }) : () -> ()
    %barrier3A = arith.constant 0 : index
    tpu.barrier barrier_id(%barrier3A)
    %mul3A_3 = arith.constant 10112 : i32
    %mul3A_4 = arith.muli %add3A, %mul3A_3 : i32
    %scan3A = arith.constant 0 : i32
    %scan3A_5 = arith.constant 0 : i32
    %scan3A_6 = arith.constant 79 : i32
    %scan3A_7 = arith.addi %scan3A_5, %scan3A_6 : i32
    %scan3A_8 = arith.constant 1 : i32
    scf.for %scan3A_15 = %scan3A_5 to %scan3A_7 step %scan3A_8  : i32 {
      %mul3A_16 = arith.constant 128 : i32
      %mul3A_17 = arith.muli %scan3A_15, %mul3A_16 : i32
      %add3A_18 = arith.addi %mul3A_4, %mul3A_17 : i32
      "tpu.region"() ({
        %run_scoped3A = tpu.sem_alloc : memref<!tpu.dma_semaphore, #tpu.memory_space<semaphore_mem>>
        %dma_start3A_23 = tpu.memref_slice %arg3[%add3A_18] : memref<323584xi32, #tpu.memory_space<hbm>> -> memref<128xi32, #tpu.memory_space<hbm>>
        %dma_start3A_24 = tpu.memref_slice %arg3[%add3A_18] : memref<323584xi32, #tpu.memory_space<hbm>> -> memref<128xi32, #tpu.memory_space<hbm>>
        tpu.enqueue_dma source(%dma_start3A_24 : memref<128xi32, #tpu.memory_space<hbm>>) target(%arg7 : memref<128xi32, #tpu.memory_space<vmem>>) target_semaphore(%run_scoped3A : memref<!tpu.dma_semaphore, #tpu.memory_space<semaphore_mem>>)
        %dma_wait3A_25 = tpu.memref_slice %arg3[%add3A_18] : memref<323584xi32, #tpu.memory_space<hbm>> -> memref<128xi32, #tpu.memory_space<hbm>>
        %dma_wait3A_26 = tpu.memref_slice %arg3[%add3A_18] : memref<323584xi32, #tpu.memory_space<hbm>> -> memref<128xi32, #tpu.memory_space<hbm>>
        tpu.wait_dma2 semaphore(%run_scoped3A : memref<!tpu.dma_semaphore, #tpu.memory_space<semaphore_mem>>) src(%dma_wait3A_26 : memref<128xi32, #tpu.memory_space<hbm>>) dst(%arg7 : memref<128xi32, #tpu.memory_space<vmem>>)
        tpu.yield
      }) : () -> ()
      "tpu.region"() ({
        %run_scoped3A = tpu.sem_alloc : memref<!tpu.dma_semaphore, #tpu.memory_space<semaphore_mem>>
        %dma_start3A_23 = tpu.memref_slice %arg4[%add3A_18] : memref<323584xi32, #tpu.memory_space<hbm>> -> memref<128xi32, #tpu.memory_space<hbm>>
        %dma_start3A_24 = tpu.memref_slice %arg4[%add3A_18] : memref<323584xi32, #tpu.memory_space<hbm>> -> memref<128xi32, #tpu.memory_space<hbm>>
        tpu.enqueue_dma source(%dma_start3A_24 : memref<128xi32, #tpu.memory_space<hbm>>) target(%arg8 : memref<128xi32, #tpu.memory_space<vmem>>) target_semaphore(%run_scoped3A : memref<!tpu.dma_semaphore, #tpu.memory_space<semaphore_mem>>)
        %dma_wait3A_25 = tpu.memref_slice %arg4[%add3A_18] : memref<323584xi32, #tpu.memory_space<hbm>> -> memref<128xi32, #tpu.memory_space<hbm>>
        %dma_wait3A_26 = tpu.memref_slice %arg4[%add3A_18] : memref<323584xi32, #tpu.memory_space<hbm>> -> memref<128xi32, #tpu.memory_space<hbm>>
        tpu.wait_dma2 semaphore(%run_scoped3A : memref<!tpu.dma_semaphore, #tpu.memory_space<semaphore_mem>>) src(%dma_wait3A_26 : memref<128xi32, #tpu.memory_space<hbm>>) dst(%arg8 : memref<128xi32, #tpu.memory_space<vmem>>)
        tpu.yield
      }) : () -> ()
      %dma_start3A = arith.constant 0 : i32
      %dma_start3A_19 = arith.constant 0 : i32
      %dma_start3A_20 = tpu.memref_slice %arg2[%dma_start3A, %dma_start3A_19] : memref<10000x128xf32, #tpu.memory_space<hbm>> -> memref<10000x128xf32, #tpu.memory_space<hbm>>
      tpu.enqueue_indirect_dma source(%dma_start3A_20 : memref<10000x128xf32, #tpu.memory_space<hbm>>) target(%arg9 : memref<128x128xf32, #tpu.memory_space<vmem>>) offsets(%arg7 : memref<128xi32, #tpu.memory_space<vmem>>) semaphore(%arg11 : memref<!tpu.dma_semaphore, #tpu.memory_space<semaphore_mem>>)
      %dma_wait3A = arith.constant 0 : i32
      %dma_wait3A_21 = arith.constant 0 : i32
      %dma_wait3A_22 = tpu.memref_slice %arg2[%dma_wait3A, %dma_wait3A_21] : memref<10000x128xf32, #tpu.memory_space<hbm>> -> memref<10000x128xf32, #tpu.memory_space<hbm>>
      tpu.wait_indirect_dma semaphore(%arg11 : memref<!tpu.dma_semaphore, #tpu.memory_space<semaphore_mem>>) src(%dma_wait3A_22 : memref<10000x128xf32, #tpu.memory_space<hbm>>) dst(%arg9 : memref<128x128xf32, #tpu.memory_space<vmem>>)
      "tpu.region"() ({
        %run_scoped3A = tpu.sem_alloc : memref<!tpu.dma_semaphore, #tpu.memory_space<semaphore_mem>>
        %dma_start3A_23 = arith.constant 0 : i32
        %dma_start3A_24 = arith.constant 0 : i32
        %dma_start3A_25 = tpu.memref_slice %arg10[%dma_start3A_23, %dma_start3A_24] : memref<10112x128xf32, #tpu.memory_space<vmem_shared>> -> memref<10112x128xf32, #tpu.memory_space<vmem_shared>>
        tpu.enqueue_indirect_dma source(%arg9 : memref<128x128xf32, #tpu.memory_space<vmem>>) target(%dma_start3A_25 : memref<10112x128xf32, #tpu.memory_space<vmem_shared>>) offsets(%arg8 : memref<128xi32, #tpu.memory_space<vmem>>) semaphore(%run_scoped3A : memref<!tpu.dma_semaphore, #tpu.memory_space<semaphore_mem>>) {add = true}
        %dma_wait3A_26 = arith.constant 0 : i32
        %dma_wait3A_27 = arith.constant 0 : i32
        %dma_wait3A_28 = tpu.memref_slice %arg10[%dma_wait3A_26, %dma_wait3A_27] : memref<10112x128xf32, #tpu.memory_space<vmem_shared>> -> memref<10112x128xf32, #tpu.memory_space<vmem_shared>>
        tpu.wait_indirect_dma semaphore(%run_scoped3A : memref<!tpu.dma_semaphore, #tpu.memory_space<semaphore_mem>>) src(%arg9 : memref<128x128xf32, #tpu.memory_space<vmem>>) dst(%dma_wait3A_28 : memref<10112x128xf32, #tpu.memory_space<vmem_shared>>)
        tpu.yield
      }) : () -> ()
    }
    %scan3A_9 = arith.constant 79 : i32
    %barrier3A_10 = arith.constant 0 : index
    tpu.barrier barrier_id(%barrier3A_10)
    %mul3A_11 = arith.constant 632 : i32
    %mul3A_12 = arith.muli %arg1, %mul3A_11 : i32
    %mul3A_13 = arith.constant 632 : i32
    %mul3A_14 = arith.muli %arg1, %mul3A_13 : i32
    "tpu.region"() ({
      %run_scoped3A = tpu.sem_alloc : memref<!tpu.dma_semaphore, #tpu.memory_space<semaphore_mem>>
      %dma_start3A = arith.constant 0 : i32
      %dma_start3A_15 = tpu.memref_slice %arg6[%arg0, %mul3A_14, %dma_start3A] : memref<2x10112x128xf32, #tpu.memory_space<hbm>> -> memref<1x632x128xf32, #tpu.memory_space<hbm>>
      %dma_start3A_16 = tpu.memref_squeeze %dma_start3A_15 : memref<1x632x128xf32, #tpu.memory_space<hbm>> -> memref<632x128xf32, #tpu.memory_space<hbm>>
      %dma_start3A_17 = arith.constant 0 : i32
      %dma_start3A_18 = tpu.memref_slice %arg10[%mul3A_12, %dma_start3A_17] : memref<10112x128xf32, #tpu.memory_space<vmem_shared>> -> memref<632x128xf32, #tpu.memory_space<vmem_shared>>
      tpu.enqueue_dma source(%dma_start3A_18 : memref<632x128xf32, #tpu.memory_space<vmem_shared>>) target(%dma_start3A_16 : memref<632x128xf32, #tpu.memory_space<hbm>>) target_semaphore(%run_scoped3A : memref<!tpu.dma_semaphore, #tpu.memory_space<semaphore_mem>>)
      %dma_wait3A = arith.constant 0 : i32
      %dma_wait3A_19 = tpu.memref_slice %arg6[%arg0, %mul3A_14, %dma_wait3A] : memref<2x10112x128xf32, #tpu.memory_space<hbm>> -> memref<1x632x128xf32, #tpu.memory_space<hbm>>
      %dma_wait3A_20 = tpu.memref_squeeze %dma_wait3A_19 : memref<1x632x128xf32, #tpu.memory_space<hbm>> -> memref<632x128xf32, #tpu.memory_space<hbm>>
      %dma_wait3A_21 = arith.constant 0 : i32
      %dma_wait3A_22 = tpu.memref_slice %arg10[%mul3A_12, %dma_wait3A_21] : memref<10112x128xf32, #tpu.memory_space<vmem_shared>> -> memref<632x128xf32, #tpu.memory_space<vmem_shared>>
      tpu.wait_dma2 semaphore(%run_scoped3A : memref<!tpu.dma_semaphore, #tpu.memory_space<semaphore_mem>>) src(%dma_wait3A_22 : memref<632x128xf32, #tpu.memory_space<vmem_shared>>) dst(%dma_wait3A_20 : memref<632x128xf32, #tpu.memory_space<hbm>>)
      tpu.yield
    }) : () -> ()
    return
  }
}

module attributes {stable_mosaic.version = 14 : i64} {
  func.func @body(%arg0: i32, %arg1: memref<1x1000x128xf32, #tpu.memory_space<vmem>>, %arg2: memref<1x1000x128xf32, #tpu.memory_space<vmem>>, %arg3: memref<1000x128xf32, #tpu.memory_space<vmem>>, %arg4: memref<1000x128xf32, #tpu.memory_space<vmem>>, %arg5: memref<1000x1xf32, #tpu.memory_space<vmem>>, %arg6: memref<1x128xf32, #tpu.memory_space<vmem>>, %arg7: memref<1x128xf32, #tpu.memory_space<vmem>>, %arg8: memref<1x128xf32, #tpu.memory_space<vmem>>, %arg9: memref<128x128xf32, #tpu.memory_space<vmem>>, %arg10: memref<1000x128xf32, #tpu.memory_space<vmem>>, %arg11: memref<1000x128xf32, #tpu.memory_space<vmem>>) attributes {dimension_semantics = [#tpu.dimension_semantics<arbitrary>], iteration_bounds = array<i64: 10>, scalar_prefetch = 0 : i64, scratch_operands = 0 : i64, tpu.core_type = #tpu.core_type<tc>, window_params = [{transform_indices = @transform_0, window_bounds = array<i64: 1, 1000, 128>}, {transform_indices = @transform_1, window_bounds = array<i64: 1, 1000, 128>}, {transform_indices = @transform_2, window_bounds = array<i64: 1000, 128>}, {transform_indices = @transform_3, window_bounds = array<i64: 1000, 128>}, {transform_indices = @transform_4, window_bounds = array<i64: 1000, 1>}, {pipeline_mode = #tpu.pipeline_mode<synchronous>, transform_indices = @transform_5, window_bounds = array<i64: 1, 128>}, {pipeline_mode = #tpu.pipeline_mode<synchronous>, transform_indices = @transform_6, window_bounds = array<i64: 1, 128>}, {pipeline_mode = #tpu.pipeline_mode<synchronous>, transform_indices = @transform_7, window_bounds = array<i64: 1, 128>}, {pipeline_mode = #tpu.pipeline_mode<synchronous>, transform_indices = @transform_8, window_bounds = array<i64: 128, 128>}, {transform_indices = @transform_9, window_bounds = array<i64: 1000, 128>}, {transform_indices = @transform_10, window_bounds = array<i64: 1000, 128>}]} {
    %get3A = arith.constant 0 : index
    %get3A_0 = arith.constant 0 : index
    %get3A_1 = vector.load %arg5[%get3A, %get3A_0] : memref<1000x1xf32, #tpu.memory_space<vmem>>, vector<1000x1xf32>
    %get3A_2 = arith.constant 0 : index
    %get3A_3 = arith.constant 0 : index
    %get3A_4 = arith.constant 0 : index
    %get3A_5 = vector.load %arg1[%get3A_2, %get3A_3, %get3A_4] : memref<1x1000x128xf32, #tpu.memory_space<vmem>>, vector<1x1000x128xf32>
    %get3A_6 = vector.shape_cast %get3A_5 : vector<1x1000x128xf32> to vector<1000x128xf32>
    %get3A_7 = arith.constant 0 : index
    %get3A_8 = arith.constant 0 : index
    %get3A_9 = arith.constant 0 : index
    %get3A_10 = vector.load %arg2[%get3A_7, %get3A_8, %get3A_9] : memref<1x1000x128xf32, #tpu.memory_space<vmem>>, vector<1x1000x128xf32>
    %get3A_11 = vector.shape_cast %get3A_10 : vector<1x1000x128xf32> to vector<1000x128xf32>
    %add3A = arith.addf %get3A_6, %get3A_11 : vector<1000x128xf32>
    %get3A_12 = arith.constant 0 : index
    %get3A_13 = arith.constant 0 : index
    %get3A_14 = vector.load %arg3[%get3A_12, %get3A_13] : memref<1000x128xf32, #tpu.memory_space<vmem>>, vector<1000x128xf32>
    %add3A_15 = arith.addf %add3A, %get3A_14 : vector<1000x128xf32>
    %mul3A = vector.broadcast %get3A_1 : vector<1000x1xf32> to vector<1000x128xf32>
    %mul3A_16 = arith.mulf %add3A_15, %mul3A : vector<1000x128xf32>
    %get3A_17 = arith.constant 0 : index
    %get3A_18 = arith.constant 0 : index
    %get3A_19 = vector.load %arg6[%get3A_17, %get3A_18] : memref<1x128xf32, #tpu.memory_space<vmem>>, vector<1x128xf32>
    %add3A_20 = vector.broadcast %get3A_19 : vector<1x128xf32> to vector<1000x128xf32>
    %add3A_21 = arith.addf %mul3A_16, %add3A_20 : vector<1000x128xf32>
    %max3A = arith.constant 0.000000e+00 : f32
    %max3A_22 = vector.broadcast %max3A : f32 to vector<1000x128xf32>
    %max3A_23 = arith.maximumf %add3A_21, %max3A_22 : vector<1000x128xf32>
    %reduce_sum3A = arith.constant dense<0.000000e+00> : vector<1000xf32>
    %reduce_sum3A_24 = vector.multi_reduction <add>, %max3A_23, %reduce_sum3A [1] : vector<1000x128xf32> to vector<1000xf32>
    %broadcast_in_dim3A = vector.shape_cast %reduce_sum3A_24 : vector<1000xf32> to vector<1000x1xf32>
    %div3A = arith.constant 1.280000e+02 : f32
    %div3A_25 = vector.broadcast %div3A : f32 to vector<1000x1xf32>
    %div3A_26 = arith.divf %broadcast_in_dim3A, %div3A_25 : vector<1000x1xf32>
    %sub3A = vector.broadcast %div3A_26 : vector<1000x1xf32> to vector<1000x128xf32>
    %sub3A_27 = arith.subf %max3A_23, %sub3A : vector<1000x128xf32>
    %integer_pow3A = arith.mulf %sub3A_27, %sub3A_27 : vector<1000x128xf32>
    %reduce_sum3A_28 = arith.constant dense<0.000000e+00> : vector<1000xf32>
    %reduce_sum3A_29 = vector.multi_reduction <add>, %integer_pow3A, %reduce_sum3A_28 [1] : vector<1000x128xf32> to vector<1000xf32>
    %broadcast_in_dim3A_30 = vector.shape_cast %reduce_sum3A_29 : vector<1000xf32> to vector<1000x1xf32>
    %div3A_31 = arith.constant 1.280000e+02 : f32
    %div3A_32 = vector.broadcast %div3A_31 : f32 to vector<1000x1xf32>
    %div3A_33 = arith.divf %broadcast_in_dim3A_30, %div3A_32 : vector<1000x1xf32>
    %sub3A_34 = vector.broadcast %div3A_26 : vector<1000x1xf32> to vector<1000x128xf32>
    %sub3A_35 = arith.subf %max3A_23, %sub3A_34 : vector<1000x128xf32>
    %add3A_36 = arith.constant 9.99999974E-6 : f32
    %add3A_37 = vector.broadcast %add3A_36 : f32 to vector<1000x1xf32>
    %add3A_38 = arith.addf %div3A_33, %add3A_37 : vector<1000x1xf32>
    %rsqrt3A = math.rsqrt %add3A_38 : vector<1000x1xf32>
    %mul3A_39 = vector.broadcast %rsqrt3A : vector<1000x1xf32> to vector<1000x128xf32>
    %mul3A_40 = arith.mulf %sub3A_35, %mul3A_39 : vector<1000x128xf32>
    %get3A_41 = arith.constant 0 : index
    %get3A_42 = arith.constant 0 : index
    %get3A_43 = vector.load %arg7[%get3A_41, %get3A_42] : memref<1x128xf32, #tpu.memory_space<vmem>>, vector<1x128xf32>
    %mul3A_44 = vector.broadcast %get3A_43 : vector<1x128xf32> to vector<1000x128xf32>
    %mul3A_45 = arith.mulf %mul3A_40, %mul3A_44 : vector<1000x128xf32>
    %get3A_46 = arith.constant 0 : index
    %get3A_47 = arith.constant 0 : index
    %get3A_48 = vector.load %arg8[%get3A_46, %get3A_47] : memref<1x128xf32, #tpu.memory_space<vmem>>, vector<1x128xf32>
    %add3A_49 = vector.broadcast %get3A_48 : vector<1x128xf32> to vector<1000x128xf32>
    %add3A_50 = arith.addf %mul3A_45, %add3A_49 : vector<1000x128xf32>
    %get3A_51 = arith.constant 0 : index
    %get3A_52 = arith.constant 0 : index
    %get3A_53 = vector.load %arg4[%get3A_51, %get3A_52] : memref<1000x128xf32, #tpu.memory_space<vmem>>, vector<1000x128xf32>
    %add3A_54 = arith.addf %add3A_50, %get3A_53 : vector<1000x128xf32>
    %swap3A = arith.constant 0 : index
    %swap3A_55 = arith.constant 0 : index
    %swap3A_56 = vector.load %arg10[%swap3A, %swap3A_55] : memref<1000x128xf32, #tpu.memory_space<vmem>>, vector<1000x128xf32>
    tpu.vector_store %arg10[%swap3A, %swap3A_55], %add3A_54 {strides = array<i32>} : memref<1000x128xf32, #tpu.memory_space<vmem>>, vector<1000x128xf32>,
    %get3A_57 = arith.constant 0 : index
    %get3A_58 = arith.constant 0 : index
    %get3A_59 = vector.load %arg9[%get3A_57, %get3A_58] : memref<128x128xf32, #tpu.memory_space<vmem>>, vector<128x128xf32>
    %dot_general3A = arith.constant dense<0.000000e+00> : vector<1000x128xf32>
    %dot_general3A_60 = tpu.matmul %add3A_54, %get3A_59, %dot_general3A {dimension_numbers = #tpu.dot_dimension_numbers<[1], [0], [0], [1], [0, 0, 1, 1], [], []>, transpose_lhs_hint = false} : vector<1000x128xf32>, vector<128x128xf32>, vector<1000x128xf32> -> vector<1000x128xf32>
    %mul3A_61 = vector.broadcast %get3A_1 : vector<1000x1xf32> to vector<1000x128xf32>
    %mul3A_62 = arith.mulf %dot_general3A_60, %mul3A_61 : vector<1000x128xf32>
    %swap3A_63 = arith.constant 0 : index
    %swap3A_64 = arith.constant 0 : index
    %swap3A_65 = vector.load %arg11[%swap3A_63, %swap3A_64] : memref<1000x128xf32, #tpu.memory_space<vmem>>, vector<1000x128xf32>
    tpu.vector_store %arg11[%swap3A_63, %swap3A_64], %mul3A_62 {strides = array<i32>} : memref<1000x128xf32, #tpu.memory_space<vmem>>, vector<1000x128xf32>,
    return
  }
  func.func @transform_0(%arg0: i32) -> (i32, i32, i32) {
    %c0_i32 = arith.constant 0 : i32
    %c0_i32_0 = arith.constant 0 : i32
    %c0_i32_1 = arith.constant 0 : i32
    return %c0_i32, %arg0, %c0_i32_0 : i32, i32, i32
  }
  func.func @transform_1(%arg0: i32) -> (i32, i32, i32) {
    %c1_i32 = arith.constant 1 : i32
    %c0_i32 = arith.constant 0 : i32
    %c0_i32_0 = arith.constant 0 : i32
    return %c1_i32, %arg0, %c0_i32 : i32, i32, i32
  }
  func.func @transform_2(%arg0: i32) -> (i32, i32) {
    %c0_i32 = arith.constant 0 : i32
    %c0_i32_0 = arith.constant 0 : i32
    return %arg0, %c0_i32 : i32, i32
  }
  func.func @transform_3(%arg0: i32) -> (i32, i32) {
    %c0_i32 = arith.constant 0 : i32
    %c0_i32_0 = arith.constant 0 : i32
    return %arg0, %c0_i32 : i32, i32
  }
  func.func @transform_4(%arg0: i32) -> (i32, i32) {
    %c0_i32 = arith.constant 0 : i32
    %c0_i32_0 = arith.constant 0 : i32
    return %arg0, %c0_i32 : i32, i32
  }
  func.func @transform_5(%arg0: i32) -> (i32, i32) {
    %c0_i32 = arith.constant 0 : i32
    %c0_i32_0 = arith.constant 0 : i32
    %c0_i32_1 = arith.constant 0 : i32
    return %c0_i32, %c0_i32_0 : i32, i32
  }
  func.func @transform_6(%arg0: i32) -> (i32, i32) {
    %c0_i32 = arith.constant 0 : i32
    %c0_i32_0 = arith.constant 0 : i32
    %c0_i32_1 = arith.constant 0 : i32
    return %c0_i32, %c0_i32_0 : i32, i32
  }
  func.func @transform_7(%arg0: i32) -> (i32, i32) {
    %c0_i32 = arith.constant 0 : i32
    %c0_i32_0 = arith.constant 0 : i32
    %c0_i32_1 = arith.constant 0 : i32
    return %c0_i32, %c0_i32_0 : i32, i32
  }
  func.func @transform_8(%arg0: i32) -> (i32, i32) {
    %c0_i32 = arith.constant 0 : i32
    %c0_i32_0 = arith.constant 0 : i32
    %c0_i32_1 = arith.constant 0 : i32
    return %c0_i32, %c0_i32_0 : i32, i32
  }
  func.func @transform_9(%arg0: i32) -> (i32, i32) {
    %c0_i32 = arith.constant 0 : i32
    %c0_i32_0 = arith.constant 0 : i32
    return %arg0, %c0_i32 : i32, i32
  }
  func.func @transform_10(%arg0: i32) -> (i32, i32) {
    %c0_i32 = arith.constant 0 : i32
    %c0_i32_0 = arith.constant 0 : i32
    return %arg0, %c0_i32 : i32, i32
  }
}

module attributes {stable_mosaic.version = 14 : i64} {
  func.func @body(%arg0: i32, %arg1: memref<1000x128xf32, #tpu.memory_space<vmem>>, %arg2: memref<128x128xf32, #tpu.memory_space<vmem>>, %arg3: memref<1x128xf32, #tpu.memory_space<vmem>>, %arg4: memref<128x128xf32, #tpu.memory_space<vmem>>, %arg5: memref<1000x128xf32, #tpu.memory_space<vmem>>, %arg6: memref<1000x128xf32, #tpu.memory_space<vmem>>) attributes {dimension_semantics = [#tpu.dimension_semantics<arbitrary>], iteration_bounds = array<i64: 10>, scalar_prefetch = 0 : i64, scratch_operands = 0 : i64, tpu.core_type = #tpu.core_type<tc>, window_params = [{transform_indices = @transform_0, window_bounds = array<i64: 1000, 128>}, {pipeline_mode = #tpu.pipeline_mode<synchronous>, transform_indices = @transform_1, window_bounds = array<i64: 128, 128>}, {pipeline_mode = #tpu.pipeline_mode<synchronous>, transform_indices = @transform_2, window_bounds = array<i64: 1, 128>}, {pipeline_mode = #tpu.pipeline_mode<synchronous>, transform_indices = @transform_3, window_bounds = array<i64: 128, 128>}, {transform_indices = @transform_4, window_bounds = array<i64: 1000, 128>}, {transform_indices = @transform_5, window_bounds = array<i64: 1000, 128>}]} {
    %get3A = arith.constant 0 : index
    %get3A_0 = arith.constant 0 : index
    %get3A_1 = vector.load %arg1[%get3A, %get3A_0] : memref<1000x128xf32, #tpu.memory_space<vmem>>, vector<1000x128xf32>
    %get3A_2 = arith.constant 0 : index
    %get3A_3 = arith.constant 0 : index
    %get3A_4 = vector.load %arg2[%get3A_2, %get3A_3] : memref<128x128xf32, #tpu.memory_space<vmem>>, vector<128x128xf32>
    %dot_general3A = arith.constant dense<0.000000e+00> : vector<1000x128xf32>
    %dot_general3A_5 = tpu.matmul %get3A_1, %get3A_4, %dot_general3A {dimension_numbers = #tpu.dot_dimension_numbers<[1], [0], [0], [1], [0, 0, 1, 1], [], []>, transpose_lhs_hint = false} : vector<1000x128xf32>, vector<128x128xf32>, vector<1000x128xf32> -> vector<1000x128xf32>
    %get3A_6 = arith.constant 0 : index
    %get3A_7 = arith.constant 0 : index
    %get3A_8 = vector.load %arg3[%get3A_6, %get3A_7] : memref<1x128xf32, #tpu.memory_space<vmem>>, vector<1x128xf32>
    %add3A = vector.broadcast %get3A_8 : vector<1x128xf32> to vector<1000x128xf32>
    %add3A_9 = arith.addf %dot_general3A_5, %add3A : vector<1000x128xf32>
    %swap3A = arith.constant 0 : index
    %swap3A_10 = arith.constant 0 : index
    %swap3A_11 = vector.load %arg5[%swap3A, %swap3A_10] : memref<1000x128xf32, #tpu.memory_space<vmem>>, vector<1000x128xf32>
    tpu.vector_store %arg5[%swap3A, %swap3A_10], %add3A_9 {strides = array<i32>} : memref<1000x128xf32, #tpu.memory_space<vmem>>, vector<1000x128xf32>,
    %get3A_12 = arith.constant 0 : index
    %get3A_13 = arith.constant 0 : index
    %get3A_14 = vector.load %arg4[%get3A_12, %get3A_13] : memref<128x128xf32, #tpu.memory_space<vmem>>, vector<128x128xf32>
    %dot_general3A_15 = arith.constant dense<0.000000e+00> : vector<1000x128xf32>
    %dot_general3A_16 = tpu.matmul %add3A_9, %get3A_14, %dot_general3A_15 {dimension_numbers = #tpu.dot_dimension_numbers<[1], [0], [0], [1], [0, 0, 1, 1], [], []>, transpose_lhs_hint = false} : vector<1000x128xf32>, vector<128x128xf32>, vector<1000x128xf32> -> vector<1000x128xf32>
    %swap3A_17 = arith.constant 0 : index
    %swap3A_18 = arith.constant 0 : index
    %swap3A_19 = vector.load %arg6[%swap3A_17, %swap3A_18] : memref<1000x128xf32, #tpu.memory_space<vmem>>, vector<1000x128xf32>
    tpu.vector_store %arg6[%swap3A_17, %swap3A_18], %dot_general3A_16 {strides = array<i32>} : memref<1000x128xf32, #tpu.memory_space<vmem>>, vector<1000x128xf32>,
    return
  }
  func.func @transform_0(%arg0: i32) -> (i32, i32) {
    %c0_i32 = arith.constant 0 : i32
    %c0_i32_0 = arith.constant 0 : i32
    return %arg0, %c0_i32 : i32, i32
  }
  func.func @transform_1(%arg0: i32) -> (i32, i32) {
    %c0_i32 = arith.constant 0 : i32
    %c0_i32_0 = arith.constant 0 : i32
    %c0_i32_1 = arith.constant 0 : i32
    return %c0_i32, %c0_i32_0 : i32, i32
  }
  func.func @transform_2(%arg0: i32) -> (i32, i32) {
    %c0_i32 = arith.constant 0 : i32
    %c0_i32_0 = arith.constant 0 : i32
    %c0_i32_1 = arith.constant 0 : i32
    return %c0_i32, %c0_i32_0 : i32, i32
  }
  func.func @transform_3(%arg0: i32) -> (i32, i32) {
    %c0_i32 = arith.constant 0 : i32
    %c0_i32_0 = arith.constant 0 : i32
    %c0_i32_1 = arith.constant 0 : i32
    return %c0_i32, %c0_i32_0 : i32, i32
  }
  func.func @transform_4(%arg0: i32) -> (i32, i32) {
    %c0_i32 = arith.constant 0 : i32
    %c0_i32_0 = arith.constant 0 : i32
    return %arg0, %c0_i32 : i32, i32
  }
  func.func @transform_5(%arg0: i32) -> (i32, i32) {
    %c0_i32 = arith.constant 0 : i32
    %c0_i32_0 = arith.constant 0 : i32
    return %arg0, %c0_i32 : i32, i32
  }
}

module attributes {stable_mosaic.version = 14 : i64} {
  func.func @body(%arg0: i32, %arg1: memref<1x1000x16xf32, #tpu.memory_space<vmem>>, %arg2: memref<1x1000x16xf32, #tpu.memory_space<vmem>>, %arg3: memref<1000x128xf32, #tpu.memory_space<vmem>>, %arg4: memref<1000x1xf32, #tpu.memory_space<vmem>>, %arg5: memref<1000x128xf32, #tpu.memory_space<vmem>>) attributes {dimension_semantics = [#tpu.dimension_semantics<arbitrary>], iteration_bounds = array<i64: 10>, scalar_prefetch = 0 : i64, scratch_operands = 0 : i64, tpu.core_type = #tpu.core_type<tc>, window_params = [{transform_indices = @transform_0, window_bounds = array<i64: 1, 1000, 16>}, {transform_indices = @transform_1, window_bounds = array<i64: 1, 1000, 16>}, {transform_indices = @transform_2, window_bounds = array<i64: 1000, 128>}, {transform_indices = @transform_3, window_bounds = array<i64: 1000, 1>}, {transform_indices = @transform_4, window_bounds = array<i64: 1000, 128>}]} {
    %get3A = arith.constant 0 : index
    %get3A_0 = arith.constant 0 : index
    %get3A_1 = arith.constant 0 : index
    %get3A_2 = vector.load %arg1[%get3A, %get3A_0, %get3A_1] : memref<1x1000x16xf32, #tpu.memory_space<vmem>>, vector<1x1000x1xf32>
    %get3A_3 = vector.shape_cast %get3A_2 : vector<1x1000x1xf32> to vector<1000x1xf32>
    %get3A_4 = arith.constant 0 : index
    %get3A_5 = arith.constant 0 : index
    %get3A_6 = arith.constant 0 : index
    %get3A_7 = vector.load %arg2[%get3A_4, %get3A_5, %get3A_6] : memref<1x1000x16xf32, #tpu.memory_space<vmem>>, vector<1x1000x1xf32>
    %get3A_8 = vector.shape_cast %get3A_7 : vector<1x1000x1xf32> to vector<1000x1xf32>
    %add3A = arith.addf %get3A_3, %get3A_8 : vector<1000x1xf32>
    %add3A_9 = arith.constant 1.000000e+00 : f32
    %add3A_10 = vector.broadcast %add3A_9 : f32 to vector<1000x1xf32>
    %add3A_11 = arith.addf %add3A, %add3A_10 : vector<1000x1xf32>
    %rsqrt3A = math.rsqrt %add3A_11 : vector<1000x1xf32>
    %swap3A = arith.constant 0 : index
    %swap3A_12 = arith.constant 0 : index
    %swap3A_13 = vector.load %arg4[%swap3A, %swap3A_12] : memref<1000x1xf32, #tpu.memory_space<vmem>>, vector<1000x1xf32>
    tpu.vector_store %arg4[%swap3A, %swap3A_12], %rsqrt3A {strides = array<i32>} : memref<1000x1xf32, #tpu.memory_space<vmem>>, vector<1000x1xf32>,
    %get3A_14 = arith.constant 0 : index
    %get3A_15 = arith.constant 0 : index
    %get3A_16 = vector.load %arg3[%get3A_14, %get3A_15] : memref<1000x128xf32, #tpu.memory_space<vmem>>, vector<1000x128xf32>
    %mul3A = vector.broadcast %rsqrt3A : vector<1000x1xf32> to vector<1000x128xf32>
    %mul3A_17 = arith.mulf %get3A_16, %mul3A : vector<1000x128xf32>
    %swap3A_18 = arith.constant 0 : index
    %swap3A_19 = arith.constant 0 : index
    %swap3A_20 = vector.load %arg5[%swap3A_18, %swap3A_19] : memref<1000x128xf32, #tpu.memory_space<vmem>>, vector<1000x128xf32>
    tpu.vector_store %arg5[%swap3A_18, %swap3A_19], %mul3A_17 {strides = array<i32>} : memref<1000x128xf32, #tpu.memory_space<vmem>>, vector<1000x128xf32>,
    return
  }
  func.func @transform_0(%arg0: i32) -> (i32, i32, i32) {
    %c0_i32 = arith.constant 0 : i32
    %c0_i32_0 = arith.constant 0 : i32
    %c0_i32_1 = arith.constant 0 : i32
    return %c0_i32, %arg0, %c0_i32_0 : i32, i32, i32
  }
  func.func @transform_1(%arg0: i32) -> (i32, i32, i32) {
    %c1_i32 = arith.constant 1 : i32
    %c0_i32 = arith.constant 0 : i32
    %c0_i32_0 = arith.constant 0 : i32
    return %c1_i32, %arg0, %c0_i32 : i32, i32, i32
  }
  func.func @transform_2(%arg0: i32) -> (i32, i32) {
    %c0_i32 = arith.constant 0 : i32
    %c0_i32_0 = arith.constant 0 : i32
    return %arg0, %c0_i32 : i32, i32
  }
  func.func @transform_3(%arg0: i32) -> (i32, i32) {
    %c0_i32 = arith.constant 0 : i32
    %c0_i32_0 = arith.constant 0 : i32
    return %arg0, %c0_i32 : i32, i32
  }
  func.func @transform_4(%arg0: i32) -> (i32, i32) {
    %c0_i32 = arith.constant 0 : i32
    %c0_i32_0 = arith.constant 0 : i32
    return %arg0, %c0_i32 : i32, i32
  }
}

module attributes {stable_mosaic.version = 14 : i64} {
  func.func @body(%arg0: i32, %arg1: memref<1x1000x128xf32, #tpu.memory_space<vmem>>, %arg2: memref<1x1000x128xf32, #tpu.memory_space<vmem>>, %arg3: memref<1000x128xf32, #tpu.memory_space<vmem>>, %arg4: memref<1000x128xf32, #tpu.memory_space<vmem>>, %arg5: memref<1000x1xf32, #tpu.memory_space<vmem>>, %arg6: memref<1x128xf32, #tpu.memory_space<vmem>>, %arg7: memref<1x128xf32, #tpu.memory_space<vmem>>, %arg8: memref<1x128xf32, #tpu.memory_space<vmem>>, %arg9: memref<1000x128xf32, #tpu.memory_space<vmem>>) attributes {dimension_semantics = [#tpu.dimension_semantics<arbitrary>], iteration_bounds = array<i64: 10>, scalar_prefetch = 0 : i64, scratch_operands = 0 : i64, tpu.core_type = #tpu.core_type<tc>, window_params = [{transform_indices = @transform_0, window_bounds = array<i64: 1, 1000, 128>}, {transform_indices = @transform_1, window_bounds = array<i64: 1, 1000, 128>}, {transform_indices = @transform_2, window_bounds = array<i64: 1000, 128>}, {transform_indices = @transform_3, window_bounds = array<i64: 1000, 128>}, {transform_indices = @transform_4, window_bounds = array<i64: 1000, 1>}, {pipeline_mode = #tpu.pipeline_mode<synchronous>, transform_indices = @transform_5, window_bounds = array<i64: 1, 128>}, {pipeline_mode = #tpu.pipeline_mode<synchronous>, transform_indices = @transform_6, window_bounds = array<i64: 1, 128>}, {pipeline_mode = #tpu.pipeline_mode<synchronous>, transform_indices = @transform_7, window_bounds = array<i64: 1, 128>}, {transform_indices = @transform_8, window_bounds = array<i64: 1000, 128>}]} {
    %get3A = arith.constant 0 : index
    %get3A_0 = arith.constant 0 : index
    %get3A_1 = vector.load %arg5[%get3A, %get3A_0] : memref<1000x1xf32, #tpu.memory_space<vmem>>, vector<1000x1xf32>
    %get3A_2 = arith.constant 0 : index
    %get3A_3 = arith.constant 0 : index
    %get3A_4 = arith.constant 0 : index
    %get3A_5 = vector.load %arg1[%get3A_2, %get3A_3, %get3A_4] : memref<1x1000x128xf32, #tpu.memory_space<vmem>>, vector<1x1000x128xf32>
    %get3A_6 = vector.shape_cast %get3A_5 : vector<1x1000x128xf32> to vector<1000x128xf32>
    %get3A_7 = arith.constant 0 : index
    %get3A_8 = arith.constant 0 : index
    %get3A_9 = arith.constant 0 : index
    %get3A_10 = vector.load %arg2[%get3A_7, %get3A_8, %get3A_9] : memref<1x1000x128xf32, #tpu.memory_space<vmem>>, vector<1x1000x128xf32>
    %get3A_11 = vector.shape_cast %get3A_10 : vector<1x1000x128xf32> to vector<1000x128xf32>
    %add3A = arith.addf %get3A_6, %get3A_11 : vector<1000x128xf32>
    %get3A_12 = arith.constant 0 : index
    %get3A_13 = arith.constant 0 : index
    %get3A_14 = vector.load %arg3[%get3A_12, %get3A_13] : memref<1000x128xf32, #tpu.memory_space<vmem>>, vector<1000x128xf32>
    %add3A_15 = arith.addf %add3A, %get3A_14 : vector<1000x128xf32>
    %mul3A = vector.broadcast %get3A_1 : vector<1000x1xf32> to vector<1000x128xf32>
    %mul3A_16 = arith.mulf %add3A_15, %mul3A : vector<1000x128xf32>
    %get3A_17 = arith.constant 0 : index
    %get3A_18 = arith.constant 0 : index
    %get3A_19 = vector.load %arg6[%get3A_17, %get3A_18] : memref<1x128xf32, #tpu.memory_space<vmem>>, vector<1x128xf32>
    %add3A_20 = vector.broadcast %get3A_19 : vector<1x128xf32> to vector<1000x128xf32>
    %add3A_21 = arith.addf %mul3A_16, %add3A_20 : vector<1000x128xf32>
    %max3A = arith.constant 0.000000e+00 : f32
    %max3A_22 = vector.broadcast %max3A : f32 to vector<1000x128xf32>
    %max3A_23 = arith.maximumf %add3A_21, %max3A_22 : vector<1000x128xf32>
    %reduce_sum3A = arith.constant dense<0.000000e+00> : vector<1000xf32>
    %reduce_sum3A_24 = vector.multi_reduction <add>, %max3A_23, %reduce_sum3A [1] : vector<1000x128xf32> to vector<1000xf32>
    %broadcast_in_dim3A = vector.shape_cast %reduce_sum3A_24 : vector<1000xf32> to vector<1000x1xf32>
    %div3A = arith.constant 1.280000e+02 : f32
    %div3A_25 = vector.broadcast %div3A : f32 to vector<1000x1xf32>
    %div3A_26 = arith.divf %broadcast_in_dim3A, %div3A_25 : vector<1000x1xf32>
    %sub3A = vector.broadcast %div3A_26 : vector<1000x1xf32> to vector<1000x128xf32>
    %sub3A_27 = arith.subf %max3A_23, %sub3A : vector<1000x128xf32>
    %integer_pow3A = arith.mulf %sub3A_27, %sub3A_27 : vector<1000x128xf32>
    %reduce_sum3A_28 = arith.constant dense<0.000000e+00> : vector<1000xf32>
    %reduce_sum3A_29 = vector.multi_reduction <add>, %integer_pow3A, %reduce_sum3A_28 [1] : vector<1000x128xf32> to vector<1000xf32>
    %broadcast_in_dim3A_30 = vector.shape_cast %reduce_sum3A_29 : vector<1000xf32> to vector<1000x1xf32>
    %div3A_31 = arith.constant 1.280000e+02 : f32
    %div3A_32 = vector.broadcast %div3A_31 : f32 to vector<1000x1xf32>
    %div3A_33 = arith.divf %broadcast_in_dim3A_30, %div3A_32 : vector<1000x1xf32>
    %sub3A_34 = vector.broadcast %div3A_26 : vector<1000x1xf32> to vector<1000x128xf32>
    %sub3A_35 = arith.subf %max3A_23, %sub3A_34 : vector<1000x128xf32>
    %add3A_36 = arith.constant 9.99999974E-6 : f32
    %add3A_37 = vector.broadcast %add3A_36 : f32 to vector<1000x1xf32>
    %add3A_38 = arith.addf %div3A_33, %add3A_37 : vector<1000x1xf32>
    %rsqrt3A = math.rsqrt %add3A_38 : vector<1000x1xf32>
    %mul3A_39 = vector.broadcast %rsqrt3A : vector<1000x1xf32> to vector<1000x128xf32>
    %mul3A_40 = arith.mulf %sub3A_35, %mul3A_39 : vector<1000x128xf32>
    %get3A_41 = arith.constant 0 : index
    %get3A_42 = arith.constant 0 : index
    %get3A_43 = vector.load %arg7[%get3A_41, %get3A_42] : memref<1x128xf32, #tpu.memory_space<vmem>>, vector<1x128xf32>
    %mul3A_44 = vector.broadcast %get3A_43 : vector<1x128xf32> to vector<1000x128xf32>
    %mul3A_45 = arith.mulf %mul3A_40, %mul3A_44 : vector<1000x128xf32>
    %get3A_46 = arith.constant 0 : index
    %get3A_47 = arith.constant 0 : index
    %get3A_48 = vector.load %arg8[%get3A_46, %get3A_47] : memref<1x128xf32, #tpu.memory_space<vmem>>, vector<1x128xf32>
    %add3A_49 = vector.broadcast %get3A_48 : vector<1x128xf32> to vector<1000x128xf32>
    %add3A_50 = arith.addf %mul3A_45, %add3A_49 : vector<1000x128xf32>
    %get3A_51 = arith.constant 0 : index
    %get3A_52 = arith.constant 0 : index
    %get3A_53 = vector.load %arg4[%get3A_51, %get3A_52] : memref<1000x128xf32, #tpu.memory_space<vmem>>, vector<1000x128xf32>
    %add3A_54 = arith.addf %add3A_50, %get3A_53 : vector<1000x128xf32>
    %swap3A = arith.constant 0 : index
    %swap3A_55 = arith.constant 0 : index
    %swap3A_56 = vector.load %arg9[%swap3A, %swap3A_55] : memref<1000x128xf32, #tpu.memory_space<vmem>>, vector<1000x128xf32>
    tpu.vector_store %arg9[%swap3A, %swap3A_55], %add3A_54 {strides = array<i32>} : memref<1000x128xf32, #tpu.memory_space<vmem>>, vector<1000x128xf32>,
    return
  }
  func.func @transform_0(%arg0: i32) -> (i32, i32, i32) {
    %c0_i32 = arith.constant 0 : i32
    %c0_i32_0 = arith.constant 0 : i32
    %c0_i32_1 = arith.constant 0 : i32
    return %c0_i32, %arg0, %c0_i32_0 : i32, i32, i32
  }
  func.func @transform_1(%arg0: i32) -> (i32, i32, i32) {
    %c1_i32 = arith.constant 1 : i32
    %c0_i32 = arith.constant 0 : i32
    %c0_i32_0 = arith.constant 0 : i32
    return %c1_i32, %arg0, %c0_i32 : i32, i32, i32
  }
  func.func @transform_2(%arg0: i32) -> (i32, i32) {
    %c0_i32 = arith.constant 0 : i32
    %c0_i32_0 = arith.constant 0 : i32
    return %arg0, %c0_i32 : i32, i32
  }
  func.func @transform_3(%arg0: i32) -> (i32, i32) {
    %c0_i32 = arith.constant 0 : i32
    %c0_i32_0 = arith.constant 0 : i32
    return %arg0, %c0_i32 : i32, i32
  }
  func.func @transform_4(%arg0: i32) -> (i32, i32) {
    %c0_i32 = arith.constant 0 : i32
    %c0_i32_0 = arith.constant 0 : i32
    return %arg0, %c0_i32 : i32, i32
  }
  func.func @transform_5(%arg0: i32) -> (i32, i32) {
    %c0_i32 = arith.constant 0 : i32
    %c0_i32_0 = arith.constant 0 : i32
    %c0_i32_1 = arith.constant 0 : i32
    return %c0_i32, %c0_i32_0 : i32, i32
  }
  func.func @transform_6(%arg0: i32) -> (i32, i32) {
    %c0_i32 = arith.constant 0 : i32
    %c0_i32_0 = arith.constant 0 : i32
    %c0_i32_1 = arith.constant 0 : i32
    return %c0_i32, %c0_i32_0 : i32, i32
  }
  func.func @transform_7(%arg0: i32) -> (i32, i32) {
    %c0_i32 = arith.constant 0 : i32
    %c0_i32_0 = arith.constant 0 : i32
    %c0_i32_1 = arith.constant 0 : i32
    return %c0_i32, %c0_i32_0 : i32, i32
  }
  func.func @transform_8(%arg0: i32) -> (i32, i32) {
    %c0_i32 = arith.constant 0 : i32
    %c0_i32_0 = arith.constant 0 : i32
    return %arg0, %c0_i32 : i32, i32
  }
}

module attributes {stable_mosaic.version = 14 : i64} {
  func.func @body(%arg0: i32, %arg1: memref<1000x128xf32, #tpu.memory_space<vmem>>, %arg2: memref<1000x1xi32, #tpu.memory_space<vmem>>, %arg3: memref<128x128xf32, #tpu.memory_space<vmem>>, %arg4: memref<1x128xf32, #tpu.memory_space<vmem>>, %arg5: memref<16x128xf32, #tpu.memory_space<vmem>>, %arg6: memref<16x128xf32, #tpu.memory_space<vmem>>, %arg7: memref<16x128xf32, #tpu.memory_space<vmem>>) attributes {dimension_semantics = [#tpu.dimension_semantics<arbitrary>], iteration_bounds = array<i64: 10>, scalar_prefetch = 0 : i64, scratch_operands = 2 : i64, tpu.core_type = #tpu.core_type<tc>, window_params = [{transform_indices = @transform_0, window_bounds = array<i64: 1000, 128>}, {transform_indices = @transform_1, window_bounds = array<i64: 1000, 1>}, {pipeline_mode = #tpu.pipeline_mode<synchronous>, transform_indices = @transform_2, window_bounds = array<i64: 128, 128>}, {pipeline_mode = #tpu.pipeline_mode<synchronous>, transform_indices = @transform_3, window_bounds = array<i64: 1, 128>}, {pipeline_mode = #tpu.pipeline_mode<synchronous>, transform_indices = @transform_4, window_bounds = array<i64: 16, 128>}]} {
    %iota3A = tpu.iota {dimensions = array<i32: 1>} : vector<1000x16xi32>
    %get3A = arith.constant 0 : index
    %get3A_0 = arith.constant 0 : index
    %get3A_1 = vector.load %arg2[%get3A, %get3A_0] : memref<1000x1xi32, #tpu.memory_space<vmem>>, vector<1000x1xi32>
    %eq3A = vector.broadcast %get3A_1 : vector<1000x1xi32> to vector<1000x16xi32>
    %eq3A_2 = arith.cmpi eq, %eq3A, %iota3A : vector<1000x16xi32>
    %convert_element_type3A = arith.extui %eq3A_2 : vector<1000x16xi1> to vector<1000x16xi32>
    %convert_element_type3A_3 = arith.sitofp %convert_element_type3A : vector<1000x16xi32> to vector<1000x16xf32>
    %get3A_4 = arith.constant 0 : index
    %get3A_5 = arith.constant 0 : index
    %get3A_6 = vector.load %arg1[%get3A_4, %get3A_5] : memref<1000x128xf32, #tpu.memory_space<vmem>>, vector<1000x128xf32>
    %dot_general3A = arith.constant dense<0.000000e+00> : vector<16x128xf32>
    %dot_general3A_7 = tpu.matmul %convert_element_type3A_3, %get3A_6, %dot_general3A {dimension_numbers = #tpu.dot_dimension_numbers<[0], [0], [1], [1], [0, 1, 1, 1], [], []>, transpose_lhs_hint = false} : vector<1000x16xf32>, vector<1000x128xf32>, vector<16x128xf32> -> vector<16x128xf32>
    %broadcast_in_dim3A = arith.constant 1.000000e+00 : f32
    %broadcast_in_dim3A_8 = vector.broadcast %broadcast_in_dim3A : f32 to vector<1000x128xf32>
    %dot_general3A_9 = arith.constant dense<0.000000e+00> : vector<16x128xf32>
    %dot_general3A_10 = tpu.matmul %convert_element_type3A_3, %broadcast_in_dim3A_8, %dot_general3A_9 {dimension_numbers = #tpu.dot_dimension_numbers<[0], [0], [1], [1], [0, 1, 1, 1], [], []>, transpose_lhs_hint = false} : vector<1000x16xf32>, vector<1000x128xf32>, vector<16x128xf32> -> vector<16x128xf32>
    %eq3A_11 = arith.constant 0 : i32
    %eq3A_12 = arith.cmpi eq, %arg0, %eq3A_11 : i32
    %convert_element_type3A_13 = arith.extui %eq3A_12 : i1 to i32
    %cond3A = arith.constant 0 : i32
    %cond3A_14 = arith.cmpi ne, %convert_element_type3A_13, %cond3A : i32
    scf.if %cond3A_14 {
      %swap3A = arith.constant 0 : index
      %swap3A_24 = arith.constant 0 : index
      %swap3A_25 = vector.load %arg6[%swap3A, %swap3A_24] : memref<16x128xf32, #tpu.memory_space<vmem>>, vector<16x128xf32>
      tpu.vector_store %arg6[%swap3A, %swap3A_24], %dot_general3A_7 {strides = array<i32>} : memref<16x128xf32, #tpu.memory_space<vmem>>, vector<16x128xf32>,
      %swap3A_26 = arith.constant 0 : index
      %swap3A_27 = arith.constant 0 : index
      %swap3A_28 = vector.load %arg7[%swap3A_26, %swap3A_27] : memref<16x128xf32, #tpu.memory_space<vmem>>, vector<16x128xf32>
      tpu.vector_store %arg7[%swap3A_26, %swap3A_27], %dot_general3A_10 {strides = array<i32>} : memref<16x128xf32, #tpu.memory_space<vmem>>, vector<16x128xf32>,
    } else {
    }
    %gt3A = arith.constant 0 : i32
    %gt3A_15 = arith.cmpi sgt, %arg0, %gt3A : i32
    %convert_element_type3A_16 = arith.extui %gt3A_15 : i1 to i32
    %cond3A_17 = arith.constant 0 : i32
    %cond3A_18 = arith.cmpi ne, %convert_element_type3A_16, %cond3A_17 : i32
    scf.if %cond3A_18 {
      %get3A_24 = arith.constant 0 : index
      %get3A_25 = arith.constant 0 : index
      %get3A_26 = vector.load %arg6[%get3A_24, %get3A_25] : memref<16x128xf32, #tpu.memory_space<vmem>>, vector<16x128xf32>
      %add3A = arith.addf %get3A_26, %dot_general3A_7 : vector<16x128xf32>
      %swap3A = arith.constant 0 : index
      %swap3A_27 = arith.constant 0 : index
      %swap3A_28 = vector.load %arg6[%swap3A, %swap3A_27] : memref<16x128xf32, #tpu.memory_space<vmem>>, vector<16x128xf32>
      tpu.vector_store %arg6[%swap3A, %swap3A_27], %add3A {strides = array<i32>} : memref<16x128xf32, #tpu.memory_space<vmem>>, vector<16x128xf32>,
      %get3A_29 = arith.constant 0 : index
      %get3A_30 = arith.constant 0 : index
      %get3A_31 = vector.load %arg7[%get3A_29, %get3A_30] : memref<16x128xf32, #tpu.memory_space<vmem>>, vector<16x128xf32>
      %add3A_32 = arith.addf %get3A_31, %dot_general3A_10 : vector<16x128xf32>
      %swap3A_33 = arith.constant 0 : index
      %swap3A_34 = arith.constant 0 : index
      %swap3A_35 = vector.load %arg7[%swap3A_33, %swap3A_34] : memref<16x128xf32, #tpu.memory_space<vmem>>, vector<16x128xf32>
      tpu.vector_store %arg7[%swap3A_33, %swap3A_34], %add3A_32 {strides = array<i32>} : memref<16x128xf32, #tpu.memory_space<vmem>>, vector<16x128xf32>,
    } else {
    }
    %eq3A_19 = arith.constant 9 : i32
    %eq3A_20 = arith.cmpi eq, %arg0, %eq3A_19 : i32
    %convert_element_type3A_21 = arith.extui %eq3A_20 : i1 to i32
    %cond3A_22 = arith.constant 0 : i32
    %cond3A_23 = arith.cmpi ne, %convert_element_type3A_21, %cond3A_22 : i32
    scf.if %cond3A_23 {
      %get3A_24 = arith.constant 0 : index
      %get3A_25 = arith.constant 0 : index
      %get3A_26 = vector.load %arg6[%get3A_24, %get3A_25] : memref<16x128xf32, #tpu.memory_space<vmem>>, vector<16x128xf32>
      %get3A_27 = arith.constant 0 : index
      %get3A_28 = arith.constant 0 : index
      %get3A_29 = vector.load %arg7[%get3A_27, %get3A_28] : memref<16x128xf32, #tpu.memory_space<vmem>>, vector<16x128xf32>
      %max3A = arith.constant 1.000000e+00 : f32
      %max3A_30 = vector.broadcast %max3A : f32 to vector<16x128xf32>
      %max3A_31 = arith.maximumf %get3A_29, %max3A_30 : vector<16x128xf32>
      %div3A = arith.divf %get3A_26, %max3A_31 : vector<16x128xf32>
      %get3A_32 = arith.constant 0 : index
      %get3A_33 = arith.constant 0 : index
      %get3A_34 = vector.load %arg3[%get3A_32, %get3A_33] : memref<128x128xf32, #tpu.memory_space<vmem>>, vector<128x128xf32>
      %dot_general3A_35 = arith.constant dense<0.000000e+00> : vector<16x128xf32>
      %dot_general3A_36 = tpu.matmul %div3A, %get3A_34, %dot_general3A_35 {dimension_numbers = #tpu.dot_dimension_numbers<[1], [0], [0], [1], [0, 0, 1, 1], [], []>, transpose_lhs_hint = false} : vector<16x128xf32>, vector<128x128xf32>, vector<16x128xf32> -> vector<16x128xf32>
      %get3A_37 = arith.constant 0 : index
      %get3A_38 = arith.constant 0 : index
      %get3A_39 = vector.load %arg4[%get3A_37, %get3A_38] : memref<1x128xf32, #tpu.memory_space<vmem>>, vector<1x128xf32>
      %add3A = vector.broadcast %get3A_39 : vector<1x128xf32> to vector<16x128xf32>
      %add3A_40 = arith.addf %dot_general3A_36, %add3A : vector<16x128xf32>
      %swap3A = arith.constant 0 : index
      %swap3A_41 = arith.constant 0 : index
      %swap3A_42 = vector.load %arg5[%swap3A, %swap3A_41] : memref<16x128xf32, #tpu.memory_space<vmem>>, vector<16x128xf32>
      tpu.vector_store %arg5[%swap3A, %swap3A_41], %add3A_40 {strides = array<i32>} : memref<16x128xf32, #tpu.memory_space<vmem>>, vector<16x128xf32>,
    } else {
    }
    return
  }
  func.func @transform_0(%arg0: i32) -> (i32, i32) {
    %c0_i32 = arith.constant 0 : i32
    %c0_i32_0 = arith.constant 0 : i32
    return %arg0, %c0_i32 : i32, i32
  }
  func.func @transform_1(%arg0: i32) -> (i32, i32) {
    %c0_i32 = arith.constant 0 : i32
    %c0_i32_0 = arith.constant 0 : i32
    return %arg0, %c0_i32 : i32, i32
  }
  func.func @transform_2(%arg0: i32) -> (i32, i32) {
    %c0_i32 = arith.constant 0 : i32
    %c0_i32_0 = arith.constant 0 : i32
    %c0_i32_1 = arith.constant 0 : i32
    return %c0_i32, %c0_i32_0 : i32, i32
  }
  func.func @transform_3(%arg0: i32) -> (i32, i32) {
    %c0_i32 = arith.constant 0 : i32
    %c0_i32_0 = arith.constant 0 : i32
    %c0_i32_1 = arith.constant 0 : i32
    return %c0_i32, %c0_i32_0 : i32, i32
  }
  func.func @transform_4(%arg0: i32) -> (i32, i32) {
    %c0_i32 = arith.constant 0 : i32
    %c0_i32_0 = arith.constant 0 : i32
    %c0_i32_1 = arith.constant 0 : i32
    return %c0_i32, %c0_i32_0 : i32, i32
  }
}

</mosaic_0001>

<sc_bundles>
// kernel: kernel.12.cloned.1.call-start
scs
__scs_entry_jumppad:
0x0: {  	(pc) =	sbr.rel $0x88, $3  }
0x1: {  	(tag) =	ssettag $0x0;
	lr =	simm.s32 $0x1  }
0x2: {  	[smem:$0x3F8E] =	sst lr;
	_ =	strace $0xD0000000  }
0x3: {  	_ = 	snop  }
0x4: {  	_ = 	snop  }
0x5: {  	_ = 	snop  }
0x6: {  	_ = 	snop  }
0x7: {  	_ = 	snop  }
__scs_overlays_trampoline_lowered:
0x8: {  	[smem:$0x3F9D] =	sst s0  }
0x9: {  	[smem:$0x3F9E] =	sst s1  }
0xa: {  	[smem:$0x3F9F] =	sst s2  }
0xb: {  	[smem:$0x3FA0] =	sst s3  }
0xc: {  	[smem:$0x3FA1] =	sst s4  }
0xd: {  	[smem:$0x3FA2] =	sst s5  }
0xe: {  	[smem:$0x3FA3] =	sst s6  }
0xf: {  	[smem:$0x3FA4] =	sst s7  }
0x10: {  	[smem:$0x3FA5] =	sst s8  }
0x11: {  	[smem:$0x3FA6] =	sst s9;
	s0 =	simm.s32 @!p0 $0x0  }
0x12: {  	s1 =	sld [smem:$0x3F8C];
	s0 =	simm.s32 @p0 $0x1  }
0x13: {  	[smem:$0x3FA7] =	sst s0;
	s0 =	simm.s32 @!p1 $0x0  }
0x14: {  	s2 =	sld [smem:$0x3F8B];
	s0 =	simm.s32 @p1 $0x1  }
0x15: {  	[smem:$0x3FA8] =	sst s0;
	s0 =	simm.s32 @!p2 $0x0  }
0x16: {  	s3 =	sld [smem:$0x3FDB];
	s0 =	simm.s32 @p2 $0x1  }
0x17: {  	s4 =	simm.s32 $0x1BF5;
	[smem:$0x3FAA] =	sst s0  }
0x18: {  	s0 =	sld [smem:$0x3F8D];
	_ =	swait.ge [sflag:s4], $0x0  }
0x19: {  	s7 =	sld [smem:$0x3F8E]  }
0x1a: {  	s8 =	sadd.s32 $0xFFFFE003, lr  }
0x1b: {  	s9 =	sadd.s32 $0xFFFFFEF7, lr;
	s5 =	simm.s32 $0xFFFFFFFF;
	p2 =	slt.u32 s8, $0xFFFFF086  }
0x1c: {  	p1 =	slt.u32 s9, $0xF7A;
	s5 =	simm.s32 @!p2 $0x0  }
0x1d: {  	s5 =	simm.s32 @p1 $0x1;
	p0 =	seq.s32 s7, s2  }
0x1e: {  	s7 =	smul.u32 @!p0 $0xF7A, s2;
	p2 =	seq.s32 @!p0 s5, $0x0  }
0x1f: {  	s9 =	smul.u32 $0xF7A, s1;
	s8 =	simm.s32 @!p0 $0x1BF5;
	p2 =	por !p2, p0  }
0x20: {  	[sflag:s8] =	ssyncset.s32 @!p0 $0xFFFFF086;
	s6 =	sadd.s32 @!p0 s3, s7;
	s7 =	simm.s32 @!p0 $0x108  }
0x21: {  	s3 =	sadd.s32 s3, s9;
	s6 =	sadd.s32 @!p0 $0x88, s6;
	s7 =	simm.s32 @p2 $0x1082  }
0x22: {  	[simem:s7], [sflag:s8] =	dma.local @!p0 [hbm:s6], $0xF7A  }
0x23: {  	s9 =	sor.u32 $0xD0000000, s2;
	s6 =	simm.s32 $0x108;
	_ =	swait.ge @!p0 [sflag:s8], $0x0  }
0x24: {  	s3 =	sadd.s32 $0x88, s3;
	s6 =	simm.s32 @!p1 $0x1082;
	[sflag:s4] =	ssyncset.s32 $0xFFFFF086  }
0x25: {  	[simem:s6], [sflag:s4] =	dma.local [hbm:s3], $0xF7A  }
0x26: {  	[smem:$0x3F8E] =	sst s1;
	(tag) =	ssettag s2;
	_ =	strace s9  }
0x27: {  	s1 =	sld [smem:$0x3F9E]  }
0x28: {  	s2 =	sld [smem:$0x3F9F]  }
0x29: {  	s4 =	sld [smem:$0x3FA1]  }
0x2a: {  	p0 =	seq.s32 s5, $0x0;
	s5 =	sld [smem:$0x3FA2]  }
0x2b: {  	s6 =	sld [smem:$0x3FA3]  }
0x2c: {  	s7 =	sld [smem:$0x3FA4]  }
0x2d: {  	s3 =	simm.s32 $0x108;
	s8 =	sld [smem:$0x3FA5]  }
0x2e: {  	s3 =	simm.s32 @!p0 $0x1082;
	s9 =	sld [smem:$0x3FA6]  }
0x2f: {  	lr =	sadd.s32 s0, s3;
	s0 =	sld [smem:$0x3F9D]  }
0x30: {  	s3 =	sld [smem:$0x3FA0]  }
0x31: {  	[smem:$0x3FA9] =	sst s10  }
0x32: {  	s10 =	sld [smem:$0x3FA7];
	_ =	sdelay $0x3  }
0x33: {  	p0 =	seq.s32 s10, $0x1;
	s10 =	sld [smem:$0x3FA9];
	_ =	sdelay $0x3  }
0x34: {  	[smem:$0x3FA9] =	sst s10  }
0x35: {  	s10 =	sld [smem:$0x3FA8];
	_ =	sdelay $0x3  }
0x36: {  	p1 =	seq.s32 s10, $0x1;
	s10 =	sld [smem:$0x3FA9];
	_ =	sdelay $0x3  }
0x37: {  	[smem:$0x3FA9] =	sst s10  }
0x38: {  	s10 =	sld [smem:$0x3FAA]  }
0x39: {  	_ = 	snop;
	(pc) =	sbr.ind lr, $3  }
0x3a: {  	_ = 	snop  }
0x3b: {  	_ = 	snop  }
0x3c: {  	p2 =	seq.s32 s10, $0x1;
	s10 =	sld [smem:$0x3FA9]  }
0x3d: {  	_ =	shalt  }
0x3e: {  	_ =	shalt  }
0x3f: {  	_ =	shalt  }
0x40: {  	_ =	shalt  }
0x41: {  	_ =	shalt  }
0x42: {  	_ =	shalt  }
0x43: {  	_ =	shalt  }
0x44: {  	_ =	shalt  }
0x45: {  	_ =	shalt  }
0x46: {  	_ =	shalt  }
0x47: {  	_ =	shalt  }
0x48: {  	_ =	shalt  }
0x49: {  	_ =	shalt  }
0x4a: {  	_ =	shalt  }
0x4b: {  	_ =	shalt  }
0x4c: {  	_ =	shalt  }
0x4d: {  	_ =	shalt  }
0x4e: {  	_ =	shalt  }
0x4f: {  	_ =	shalt  }
0x50: {  	_ =	shalt  }
0x51: {  	_ =	shalt  }
0x52: {  	_ =	shalt  }
0x53: {  	_ =	shalt  }
0x54: {  	_ =	shalt  }
0x55: {  	_ =	shalt  }
0x56: {  	_ =	shalt  }
0x57: {  	_ =	shalt  }
0x58: {  	_ =	shalt  }
0x59: {  	_ =	shalt  }
0x5a: {  	_ =	shalt  }
0x5b: {  	_ =	shalt  }
0x5c: {  	_ =	shalt  }
0x5d: {  	_ =	shalt  }
0x5e: {  	_ =	shalt  }
0x5f: {  	_ =	shalt  }
0x60: {  	_ =	shalt  }
0x61: {  	_ =	shalt  }
0x62: {  	_ =	shalt  }
0x63: {  	_ =	shalt  }
0x64: {  	_ =	shalt  }
0x65: {  	_ =	shalt  }
0x66: {  	_ =	shalt  }
0x67: {  	_ =	shalt  }
0x68: {  	_ =	shalt  }
0x69: {  	_ =	shalt  }
0x6a: {  	_ =	shalt  }
0x6b: {  	_ =	shalt  }
0x6c: {  	_ =	shalt  }
0x6d: {  	_ =	shalt  }
0x6e: {  	_ =	shalt  }
0x6f: {  	_ =	shalt  }
0x70: {  	_ =	shalt  }
0x71: {  	_ =	shalt  }
0x72: {  	_ =	shalt  }
0x73: {  	_ =	shalt  }
0x74: {  	_ =	shalt  }
0x75: {  	_ =	shalt  }
0x76: {  	_ =	shalt  }
0x77: {  	_ =	shalt  }
0x78: {  	_ =	shalt  }
0x79: {  	_ =	shalt  }
0x7a: {  	_ =	shalt  }
0x7b: {  	_ =	shalt  }
0x7c: {  	_ =	shalt  }
0x7d: {  	_ =	shalt  }
0x7e: {  	_ =	shalt  }
0x7f: {  	_ =	shalt  }
0x80: {  	_ =	shalt  }
0x81: {  	_ =	shalt  }
0x82: {  	_ =	shalt  }
0x83: {  	_ =	shalt  }
0x84: {  	_ =	shalt  }
0x85: {  	_ =	shalt  }
0x86: {  	_ =	shalt  }
0x87: {  	_ =	shalt  }
.Lfunc_end0:
.L_simem_size_0:
called_computation_lowered:
.L_overlay_start_0:
0x88: {  	s2 =	sld [smem:$0x3FD9]  }
0x89: {  	s3 =	sld [smem:$0x3FFE];
	_ =	sdelay $0x1  }
0x8a: {  	s1 =	srdreg.scid  }
0x8b: {  	s0 =	sand.u32 $0x1, s1  }
0x8c: {  	s14 =	sshll.u32 s0, $0xA;
	s2 =	sadd.s32 s3, s2  }
0x8d: {  	s2 =	sadd.s32 s2, s14  }
0x8e: {  	[smem:$0x3FB5] =	sst s2  }
0x8f: {  	_ = 	snop  }
0x90: {  	s2 =	sld [smem:$0x3FD0];
	_ =	sdelay $0x2  }
0x91: {  	s15 =	simm.s32 $0xA;
	s4 =	simm.s32 $0x10  }
0x92: {  	[smem:s4], [sflag:s15] =	dma.local [hbm:s2], $0x1  }
0x93: {  	_ =	swait.eq [sflag:s15], $0x1  }
0x94: {  	[sflag:s15] =	ssyncset.done $0x0  }
0x95: {  	[sflag:s15] =	ssyncadd.s32 $0xFFFFFFFF  }
0x96: {  	s16 =	sld [smem:$0x11];
	(tm) =	ssettm $0x1  }
0x97: {  	s17 =	sld [smem:$0x3FFB];
	_ =	sdelay $0x3  }
0x98: {  	_ =	strace s17  }
0x99: {  	s3 =	sld [smem:$0x3FFC];
	_ =	sdelay $0x3  }
0x9a: {  	_ =	strace s3  }
0x9b: {  	s3 =	sld [smem:$0x3FFD];
	_ =	sdelay $0x3  }
0x9c: {  	_ =	strace s3  }
0x9d: {  	_ =	strace $0x8FFFFFFF  }
0x9e: {  	s18 =	sld [smem:$0x3FDB];
	_ =	sdelay $0x1  }
0x9f: {  	s19 =	simm.s32 $_scs_section_size  }
0xa0: {  	s5 =	simm.s32 $_size__tile_overlayer_lowered;
	s6 =	simm.s32 $_tile_overlayer_lowered  }
0xa1: {  	s22 =	simm.s32 $0x1BFF;
	s21 =	sshll.u32 s6, $0x1;
	s3 =	sadd.s32 s19, s18  }
0xa2: {  	s7 =	simm.s32 $0x0;
	s20 =	sshll.u32 s5, $0x1;
	s5 =	sadd.s32 s21, s3  }
0xa3: {  	[timem:s7], [sflag:s22] =	dma.local [hbm:s5], s20  }
0xa4: {  	_ =	swait.ge [sflag:s22], s20  }
0xa5: {  	s4 =	ssub.s32 $0x0, s20;
	[sflag:s22] =	ssyncset.done $0x0  }
0xa6: {  	[sflag:s22] =	ssyncadd.s32 s4;
	_ =	sdelay $0x1  }
0xa7: {  	s23 =	simm.s32 $0x1B8B  }
0xa8: {  	_ =	swait.ge [sflag:s23], $0x1  }
0xa9: {  	[sflag:s23] =	ssyncset.done $0x0  }
0xaa: {  	s25 =	simm.s32 $0x1B8E;
	s24 =	sld [smem:$0x3FFE];
	[sflag:s23] =	ssyncadd.s32 $0xFFFFFFFF  }
0xab: {  	s26 =	simm.s32 $execute0_lowered;
	[smem:$0x3FD2] =	sst s25  }
0xac: {  	s5 =	sshll.u32 s26, $0x1;
	_ =	strace $0x80000046;
	[dreg:$0x1] =	wrdreg $0xFFFFFFFF  }
0xad: {  	s28 =	simm.s32 $_size_execute0_lowered;
	s3 =	sadd.s32 s3, s5;
	[dreg:$0x0] =	wrdreg $0x0  }
0xae: {  	s5 =	sshll.u32 s28, $0x1;
	[dreg:$0x2] =	wrdreg s3  }
0xaf: {  	[dreg:$0x3] =	wrdreg s5  }
0xb0: {  	[dreg:$0x4] =	wrdreg $0xC0  }
0xb1: {  	_ =	task [dreg:s7], $0x5FFFF  }
0xb2: {  	[dreg:$0x1] =	wrdreg $0xFFFFFFFF  }
0xb3: {  	[dreg:$0x0] =	wrdreg $0x60  }
0xb4: {  	[dreg:$0x2] =	wrdreg s24  }
0xb5: {  	[dreg:$0x3] =	wrdreg s16  }
0xb6: {  	[dreg:$0x4] =	wrdreg $0x40800  }
0xb7: {  	[dreg:$0x5] =	wrdreg $0x9  }
0xb8: {  	_ =	task.clear_ibuf [dreg:s7], $0x6FFFF;
	_ =	strace $0x90000046  }
0xb9: {  	s29 =	simm.s32 $0x9;
	_ =	strace $0x80000048  }
0xba: {  	_ =	swait.ge [sflag:s29], $0x1  }
0xbb: {  	[sflag:s29] =	ssyncadd.s32 $0xFFFFFFFF  }
0xbc: {  	_ =	strace $0x90000048  }
0xbd: {  	_ =	sfence  }
0xbe: {  	s30 =	sld [smem:$0x0];
	_ =	sdelay $0x2  }
0xbf: {  	s31 =	sshll.u32 s1, $0xD;
	s1 =	sshrl.u32 s1, $0x2  }
0xc0: {  	s3 =	sand.u32 $0x4000, s31;
	s1 =	sadd.s32 s1, s30  }
0xc1: {  	s0 =	sor.u32 s3, s0;
	s1 =	sshll.u32 s1, $0x11  }
0xc2: {  	s0 =	sor.u32 s1, s0  }
0xc3: {  	s0 =	sadd.s32 $0x8F2B, s0  }
0xc4: {  	[sflag:s0] =	ssyncadd.remote.s32 $0x1  }
0xc5: {  	_ =	sfence.sel $0xFFFF  }
0xc6: {  	[dreg:$0x0] =	wrdreg $0xFFFFFFFF;
	(pc) =	sbr.abs _section_cstart, $3  }
0xc7: {  	[dreg:$0x1] =	wrdreg $0xFFFFFFFF  }
0xc8: {  	_ =	task.clear_ibuf [dreg:s7], $0x2FFFF;
	_ =	strace $0x9FFFFFFF  }
0xc9: {  	(tm) =	ssettm $0x7FFFFFFF  }
tec
execute0_lowered:
.L_overlay_start_1:
0x0: {  	(tag) =	ssettag $0x1  }
0x1: {  	s6 =	rddreg [dreg:$0x0]  }
0x2: {  	s2 =	rddreg [dreg:$0x1];
	s0 =	srdreg.scid  }
0x3: {  	s3 =	rddreg [dreg:$0x2];
	s1 =	stileid.u32  }
0x4: {  	s4 =	simm.s32 $0x0;
	s13 =	simm.s32 $0x0;
	s8 =	smul.u32 $0x13C00, s1  }
0x5: {  	s7 =	sand.u32 $0x1, s0;
	s0 =	rddreg [dreg:$0x3];
	s9 =	smul.u32 $0x9E0, s1  }
0x6: {  	[smem:$0x7FF] =	sst s4;
	s10 =	smul.u32 $0x4F000, s1;
	s30 =	sshll.u32 s1, $0x6  }
0x7: {  	s5 =	smul.u32 $0x13C000, s7;
	_ =	strace $0x80000047;
	s29 =	ssub.s32 $0x2, s7  }
0x8: {  	s12 =	smul.u32 $0x4F0, s7;
	s26 =	sadd.s32 s9, s6;
	s11 =	sshrl.u32 s29, $0x1  }
0x9: {  	s10 =	sshrl.u32 s10, $0x2;
	s5 =	sadd.s32 s8, s5;
	s11 =	ssub.s32 s29, s11  }
0xa: {  	s10 =	sadd.s32 s10, s3;
	s31 =	sadd.s32 s12, s26;
	s12 =	simm.s32 $0x80  }
0xb: {  	s28 =	sshrl.u32 s5, $0x3;
	s5 =	sadd.s32 $0xF000, s6;
	s8 =	smax.u32 s11, $0x1  }
0xc: {  	s10 =	sshrl.u32 s10, $0x3;
	s11 =	simm.s32 $0x1;
	s9 =	sadd.s32 s28, s6  }
0xd: {  	s6 =	sor.u32 $0x1C01, s30;
	s7 =	sadd.s32 $0xF800, s9;
	s9 =	sadd.s32 $0x5200, s31  }
.LBB2_1:
0xe: {  	[spmem:s10], [sflag:s6] =	dma.local [hbm:s2], $0x2780  }
0xf: {  	_ =	swait.ge [sflag:s11], $0x2780  }
0x10: {  	[sflag:s11] =	ssyncset.done $0x0  }
0x11: {  	[sflag:s11] =	ssyncadd.s32 $0xFFFFD880  }
0x12: {  	[tilespmem:s12], [sflag:$0x1] =	stream.linear.gather [hbm4b:s5+s4], $0x4000, $0x38;
	[tilespmem:$0x6800] =	vst v63  }
0x13: {  	_ =	swait.ge [sflag:s11], $0x4000  }
0x14: {  	[sflag:s11] =	ssyncset.done $0x0  }
0x15: {  	[sflag:s11] =	ssyncadd.s32 $0xFFFFC000  }
0x16: {  	s14 =	sadd.s32 $0x0, s9;
	[bflag:$0x0] =	sbarrier.arrive $0xFFFF  }
0x17: {  	[tilespmem:s4], [sflag:$0x1] =	stream.linear.gather [hbm4b:s14+s4], $0x80, $0x38;
	[tilespmem:$0x6800] =	vst v63  }
0x18: {  	_ =	swait.ge [sflag:s11], $0x80  }
0x19: {  	[sflag:s11] =	ssyncset.done $0x0  }
0x1a: {  	[sflag:s11] =	ssyncadd.s32 $0xFFFFFF80  }
0x1b: {  	[spmem:s3] =	stream.indirect.scatter.add.f32 [tilespmem:s12], [sflag:$0x1], $0x10, s4, s12, $0xb8;
	[tilespmem:$0x6800] =	vst v63  }
0x1c: {  	_ =	swait.ge [sflag:s11], $0x800  }
0x1d: {  	s15 =	simm.s32 $0x20;
	s14 =	simm.s32 $0x10;
	[sflag:s11] =	ssyncset.done $0x0  }
.LBB2_2:
0x1e: {  	s16 =	sadd.s32 s14, s9  }
0x1f: {  	[sflag:s11] =	ssyncadd.s32 $0xFFFFF800;
	s14 =	smov.u32 s15;
	s17 =	sadd.s32 $0x10, s15  }
0x20: {  	[tilespmem:s4], [sflag:$0x1] =	stream.linear.gather [hbm4b:s16+s4], $0x80, $0x38;
	[tilespmem:$0x6800] =	vst v63  }
0x21: {  	p0 =	sne.s32 s15, $0x4E0;
	_ =	swait.ge [sflag:s11], $0x80  }
.Ltmp0:
0x22: {  	[sflag:s11] =	ssyncset.done $0x0;
	(pc) =	sbr.rel @p0 .LBB2_2-.Ltmp0, $4  }
0x23: {  	[sflag:s11] =	ssyncadd.s32 $0xFFFFFF80  }
0x24: {  	[spmem:s3] =	stream.indirect.scatter.add.f32 [tilespmem:s12], [sflag:$0x1], $0x10, s4, s12, $0xb8;
	[tilespmem:$0x6800] =	vst v63  }
0x25: {  	_ =	swait.ge [sflag:s11], $0x800  }
0x26: {  	s15 =	smov.u32 s17;
	[sflag:s11] =	ssyncset.done $0x0  }
0x27: {  	s14 =	sadd.s32 s14, s9;
	[sflag:s11] =	ssyncadd.s32 $0xFFFFF800  }
0x28: {  	[tilespmem:s4], [sflag:$0x1] =	stream.linear.gather [hbm4b:s14+s4], $0x80, $0x38;
	[tilespmem:$0x6800] =	vst v63  }
0x29: {  	_ =	swait.ge [sflag:s11], $0x80  }
0x2a: {  	[sflag:s11] =	ssyncset.done $0x0  }
0x2b: {  	[sflag:s11] =	ssyncadd.s32 $0xFFFFFF80  }
0x2c: {  	[spmem:s3] =	stream.indirect.scatter.add.f32 [tilespmem:s12], [sflag:$0x1], $0x10, s4, s12, $0xb8;
	[tilespmem:$0x6800] =	vst v63  }
0x2d: {  	_ =	swait.ge [sflag:s11], $0x800  }
0x2e: {  	s13 =	sadd.s32 $0x1, s13;
	[sflag:s11] =	ssyncset.done $0x0  }
0x2f: {  	p0 =	sne.s32 s13, s8;
	[sflag:s11] =	ssyncadd.s32 $0xFFFFF800  }
.Ltmp1:
0x30: {  	[bflag:$0x0] =	sbarrier.arrive $0xFFFF;
	(pc) =	sbr.rel @p0 .LBB2_1-.Ltmp1, $4  }
0x31: {  	[hbm:s7], [sflag:s6] =	dma.local [spmem:s10], $0x2780  }
0x32: {  	_ =	swait.ge [sflag:s11], $0x2780  }
0x33: {  	[sflag:s11] =	ssyncset.done $0x0  }
0x34: {  	[sflag:s11] =	ssyncadd.s32 $0xFFFFD880  }
0x35: {  	_ =	sfence.sel $0x180000  }
0x36: {  	[bflag:$0x0] =	sbarrier.arrive $0xFFFF  }
0x37: {  	p0 =	sne.s32 s1, $0x0;
	_ =	strace $0x90000047  }
0x38: {  	s0 =	sadd.s32 @!p0 $0x100000, s0;
	[bflag:$0x2] =	sbarrier.arrive $0xFFFF  }
0x39: {  	[sflag:s0] =	ssyncadd.tile.s32 @!p0 $0x1;
	_ =	shalt  }
.Lfunc_end2:
_tile_overlayer_lowered:
.L_overlay_start_2:
0x3a: {  	(tag) =	ssettag $0x2  }
0x3b: {  	s0 =	rddreg [dreg:$0x0];
	s2 =	stileid.u32  }
0x3c: {  	s1 =	rddreg [dreg:$0x1];
	p0 =	sne.s32 s2, $0x0  }
0x3d: {  	s3 =	rddreg [dreg:$0x2];
	[bflag:$0x3] =	sbarrier.arrive $0xFFFF;
	s2 =	simm.s32 @!p0 $0x1C01  }
0x3e: {  	[timem:s3], [sflag:s2] =	dma.local @!p0 [hbm:s0], s1  }
0x3f: {  	s0 =	simm.s32 @!p0 $0x1  }
0x40: {  	_ =	swait.ge @!p0 [sflag:s0], s1  }
0x41: {  	s1 =	ssub.s32 @!p0 $0x0, s1;
	[sflag:s0] =	ssyncset.done @!p0 $0x0  }
0x42: {  	[sflag:s0] =	ssyncadd.s32 @!p0 s1  }
0x43: {  	[bflag:$0x3] =	sbarrier.arrive $0xFFFF  }
0x44: {  	_ =	shalt  }

// kernel: kernel.15.cloned.1.call-start
scs
__scs_entry_jumppad:
0x0: {  	(pc) =	sbr.rel $0x88, $3  }
0x1: {  	(tag) =	ssettag $0x0;
	lr =	simm.s32 $0x1  }
0x2: {  	[smem:$0x3F8E] =	sst lr;
	_ =	strace $0xD0000000  }
0x3: {  	_ = 	snop  }
0x4: {  	_ = 	snop  }
0x5: {  	_ = 	snop  }
0x6: {  	_ = 	snop  }
0x7: {  	_ = 	snop  }
__scs_overlays_trampoline_lowered:
0x8: {  	[smem:$0x3F9D] =	sst s0  }
0x9: {  	[smem:$0x3F9E] =	sst s1  }
0xa: {  	[smem:$0x3F9F] =	sst s2  }
0xb: {  	[smem:$0x3FA0] =	sst s3  }
0xc: {  	[smem:$0x3FA1] =	sst s4  }
0xd: {  	[smem:$0x3FA2] =	sst s5  }
0xe: {  	[smem:$0x3FA3] =	sst s6  }
0xf: {  	[smem:$0x3FA4] =	sst s7  }
0x10: {  	[smem:$0x3FA5] =	sst s8  }
0x11: {  	[smem:$0x3FA6] =	sst s9;
	s0 =	simm.s32 @!p0 $0x0  }
0x12: {  	s1 =	sld [smem:$0x3F8C];
	s0 =	simm.s32 @p0 $0x1  }
0x13: {  	[smem:$0x3FA7] =	sst s0;
	s0 =	simm.s32 @!p1 $0x0  }
0x14: {  	s2 =	sld [smem:$0x3F8B];
	s0 =	simm.s32 @p1 $0x1  }
0x15: {  	[smem:$0x3FA8] =	sst s0;
	s0 =	simm.s32 @!p2 $0x0  }
0x16: {  	s3 =	sld [smem:$0x3FDB];
	s0 =	simm.s32 @p2 $0x1  }
0x17: {  	s4 =	simm.s32 $0x1BF5;
	[smem:$0x3FAA] =	sst s0  }
0x18: {  	s0 =	sld [smem:$0x3F8D];
	_ =	swait.ge [sflag:s4], $0x0  }
0x19: {  	s7 =	sld [smem:$0x3F8E]  }
0x1a: {  	s8 =	sadd.s32 $0xFFFFE003, lr  }
0x1b: {  	s9 =	sadd.s32 $0xFFFFFEF7, lr;
	s5 =	simm.s32 $0xFFFFFFFF;
	p2 =	slt.u32 s8, $0xFFFFF086  }
0x1c: {  	p1 =	slt.u32 s9, $0xF7A;
	s5 =	simm.s32 @!p2 $0x0  }
0x1d: {  	s5 =	simm.s32 @p1 $0x1;
	p0 =	seq.s32 s7, s2  }
0x1e: {  	s7 =	smul.u32 @!p0 $0xF7A, s2;
	p2 =	seq.s32 @!p0 s5, $0x0  }
0x1f: {  	s9 =	smul.u32 $0xF7A, s1;
	s8 =	simm.s32 @!p0 $0x1BF5;
	p2 =	por !p2, p0  }
0x20: {  	[sflag:s8] =	ssyncset.s32 @!p0 $0xFFFFF086;
	s6 =	sadd.s32 @!p0 s3, s7;
	s7 =	simm.s32 @!p0 $0x108  }
0x21: {  	s3 =	sadd.s32 s3, s9;
	s6 =	sadd.s32 @!p0 $0x88, s6;
	s7 =	simm.s32 @p2 $0x1082  }
0x22: {  	[simem:s7], [sflag:s8] =	dma.local @!p0 [hbm:s6], $0xF7A  }
0x23: {  	s9 =	sor.u32 $0xD0000000, s2;
	s6 =	simm.s32 $0x108;
	_ =	swait.ge @!p0 [sflag:s8], $0x0  }
0x24: {  	s3 =	sadd.s32 $0x88, s3;
	s6 =	simm.s32 @!p1 $0x1082;
	[sflag:s4] =	ssyncset.s32 $0xFFFFF086  }
0x25: {  	[simem:s6], [sflag:s4] =	dma.local [hbm:s3], $0xF7A  }
0x26: {  	[smem:$0x3F8E] =	sst s1;
	(tag) =	ssettag s2;
	_ =	strace s9  }
0x27: {  	s1 =	sld [smem:$0x3F9E]  }
0x28: {  	s2 =	sld [smem:$0x3F9F]  }
0x29: {  	s4 =	sld [smem:$0x3FA1]  }
0x2a: {  	p0 =	seq.s32 s5, $0x0;
	s5 =	sld [smem:$0x3FA2]  }
0x2b: {  	s6 =	sld [smem:$0x3FA3]  }
0x2c: {  	s7 =	sld [smem:$0x3FA4]  }
0x2d: {  	s3 =	simm.s32 $0x108;
	s8 =	sld [smem:$0x3FA5]  }
0x2e: {  	s3 =	simm.s32 @!p0 $0x1082;
	s9 =	sld [smem:$0x3FA6]  }
0x2f: {  	lr =	sadd.s32 s0, s3;
	s0 =	sld [smem:$0x3F9D]  }
0x30: {  	s3 =	sld [smem:$0x3FA0]  }
0x31: {  	[smem:$0x3FA9] =	sst s10  }
0x32: {  	s10 =	sld [smem:$0x3FA7];
	_ =	sdelay $0x3  }
0x33: {  	p0 =	seq.s32 s10, $0x1;
	s10 =	sld [smem:$0x3FA9];
	_ =	sdelay $0x3  }
0x34: {  	[smem:$0x3FA9] =	sst s10  }
0x35: {  	s10 =	sld [smem:$0x3FA8];
	_ =	sdelay $0x3  }
0x36: {  	p1 =	seq.s32 s10, $0x1;
	s10 =	sld [smem:$0x3FA9];
	_ =	sdelay $0x3  }
0x37: {  	[smem:$0x3FA9] =	sst s10  }
0x38: {  	s10 =	sld [smem:$0x3FAA]  }
0x39: {  	_ = 	snop;
	(pc) =	sbr.ind lr, $3  }
0x3a: {  	_ = 	snop  }
0x3b: {  	_ = 	snop  }
0x3c: {  	p2 =	seq.s32 s10, $0x1;
	s10 =	sld [smem:$0x3FA9]  }
0x3d: {  	_ =	shalt  }
0x3e: {  	_ =	shalt  }
0x3f: {  	_ =	shalt  }
0x40: {  	_ =	shalt  }
0x41: {  	_ =	shalt  }
0x42: {  	_ =	shalt  }
0x43: {  	_ =	shalt  }
0x44: {  	_ =	shalt  }
0x45: {  	_ =	shalt  }
0x46: {  	_ =	shalt  }
0x47: {  	_ =	shalt  }
0x48: {  	_ =	shalt  }
0x49: {  	_ =	shalt  }
0x4a: {  	_ =	shalt  }
0x4b: {  	_ =	shalt  }
0x4c: {  	_ =	shalt  }
0x4d: {  	_ =	shalt  }
0x4e: {  	_ =	shalt  }
0x4f: {  	_ =	shalt  }
0x50: {  	_ =	shalt  }
0x51: {  	_ =	shalt  }
0x52: {  	_ =	shalt  }
0x53: {  	_ =	shalt  }
0x54: {  	_ =	shalt  }
0x55: {  	_ =	shalt  }
0x56: {  	_ =	shalt  }
0x57: {  	_ =	shalt  }
0x58: {  	_ =	shalt  }
0x59: {  	_ =	shalt  }
0x5a: {  	_ =	shalt  }
0x5b: {  	_ =	shalt  }
0x5c: {  	_ =	shalt  }
0x5d: {  	_ =	shalt  }
0x5e: {  	_ =	shalt  }
0x5f: {  	_ =	shalt  }
0x60: {  	_ =	shalt  }
0x61: {  	_ =	shalt  }
0x62: {  	_ =	shalt  }
0x63: {  	_ =	shalt  }
0x64: {  	_ =	shalt  }
0x65: {  	_ =	shalt  }
0x66: {  	_ =	shalt  }
0x67: {  	_ =	shalt  }
0x68: {  	_ =	shalt  }
0x69: {  	_ =	shalt  }
0x6a: {  	_ =	shalt  }
0x6b: {  	_ =	shalt  }
0x6c: {  	_ =	shalt  }
0x6d: {  	_ =	shalt  }
0x6e: {  	_ =	shalt  }
0x6f: {  	_ =	shalt  }
0x70: {  	_ =	shalt  }
0x71: {  	_ =	shalt  }
0x72: {  	_ =	shalt  }
0x73: {  	_ =	shalt  }
0x74: {  	_ =	shalt  }
0x75: {  	_ =	shalt  }
0x76: {  	_ =	shalt  }
0x77: {  	_ =	shalt  }
0x78: {  	_ =	shalt  }
0x79: {  	_ =	shalt  }
0x7a: {  	_ =	shalt  }
0x7b: {  	_ =	shalt  }
0x7c: {  	_ =	shalt  }
0x7d: {  	_ =	shalt  }
0x7e: {  	_ =	shalt  }
0x7f: {  	_ =	shalt  }
0x80: {  	_ =	shalt  }
0x81: {  	_ =	shalt  }
0x82: {  	_ =	shalt  }
0x83: {  	_ =	shalt  }
0x84: {  	_ =	shalt  }
0x85: {  	_ =	shalt  }
0x86: {  	_ =	shalt  }
0x87: {  	_ =	shalt  }
.Lfunc_end0:
.L_simem_size_0:
called_computation.1_lowered:
.L_overlay_start_0:
0x88: {  	s2 =	sld [smem:$0x3FD9]  }
0x89: {  	s3 =	sld [smem:$0x3FFE];
	_ =	sdelay $0x1  }
0x8a: {  	s1 =	srdreg.scid  }
0x8b: {  	s0 =	sand.u32 $0x1, s1  }
0x8c: {  	s14 =	sshll.u32 s0, $0xA;
	s2 =	sadd.s32 s3, s2  }
0x8d: {  	s2 =	sadd.s32 s2, s14  }
0x8e: {  	[smem:$0x3FB5] =	sst s2  }
0x8f: {  	_ = 	snop  }
0x90: {  	s2 =	sld [smem:$0x3FD0];
	_ =	sdelay $0x2  }
0x91: {  	s15 =	simm.s32 $0xA;
	s4 =	simm.s32 $0x10  }
0x92: {  	[smem:s4], [sflag:s15] =	dma.local [hbm:s2], $0x1  }
0x93: {  	_ =	swait.eq [sflag:s15], $0x1  }
0x94: {  	[sflag:s15] =	ssyncset.done $0x0  }
0x95: {  	[sflag:s15] =	ssyncadd.s32 $0xFFFFFFFF  }
0x96: {  	s16 =	sld [smem:$0x11];
	(tm) =	ssettm $0x1  }
0x97: {  	s17 =	sld [smem:$0x3FFB];
	_ =	sdelay $0x3  }
0x98: {  	_ =	strace s17  }
0x99: {  	s3 =	sld [smem:$0x3FFC];
	_ =	sdelay $0x3  }
0x9a: {  	_ =	strace s3  }
0x9b: {  	s3 =	sld [smem:$0x3FFD];
	_ =	sdelay $0x3  }
0x9c: {  	_ =	strace s3  }
0x9d: {  	_ =	strace $0x8FFFFFFF  }
0x9e: {  	s18 =	sld [smem:$0x3FDB];
	_ =	sdelay $0x1  }
0x9f: {  	s19 =	simm.s32 $_scs_section_size  }
0xa0: {  	s5 =	simm.s32 $_size__tile_overlayer_lowered;
	s6 =	simm.s32 $_tile_overlayer_lowered  }
0xa1: {  	s22 =	simm.s32 $0x1BFF;
	s21 =	sshll.u32 s6, $0x1;
	s3 =	sadd.s32 s19, s18  }
0xa2: {  	s7 =	simm.s32 $0x0;
	s20 =	sshll.u32 s5, $0x1;
	s5 =	sadd.s32 s21, s3  }
0xa3: {  	[timem:s7], [sflag:s22] =	dma.local [hbm:s5], s20  }
0xa4: {  	_ =	swait.ge [sflag:s22], s20  }
0xa5: {  	s4 =	ssub.s32 $0x0, s20;
	[sflag:s22] =	ssyncset.done $0x0  }
0xa6: {  	[sflag:s22] =	ssyncadd.s32 s4;
	_ =	sdelay $0x1  }
0xa7: {  	s23 =	simm.s32 $0x1B8B  }
0xa8: {  	_ =	swait.ge [sflag:s23], $0x1  }
0xa9: {  	[sflag:s23] =	ssyncset.done $0x0  }
0xaa: {  	s25 =	simm.s32 $0x1B8E;
	s24 =	sld [smem:$0x3FFE];
	[sflag:s23] =	ssyncadd.s32 $0xFFFFFFFF  }
0xab: {  	s26 =	simm.s32 $execute0_lowered;
	[smem:$0x3FD2] =	sst s25  }
0xac: {  	s5 =	sshll.u32 s26, $0x1;
	_ =	strace $0x80000049;
	[dreg:$0x1] =	wrdreg $0xFFFFFFFF  }
0xad: {  	s28 =	simm.s32 $_size_execute0_lowered;
	s3 =	sadd.s32 s3, s5;
	[dreg:$0x0] =	wrdreg $0x0  }
0xae: {  	s5 =	sshll.u32 s28, $0x1;
	[dreg:$0x2] =	wrdreg s3  }
0xaf: {  	[dreg:$0x3] =	wrdreg s5  }
0xb0: {  	[dreg:$0x4] =	wrdreg $0xC0  }
0xb1: {  	_ =	task [dreg:s7], $0x5FFFF  }
0xb2: {  	[dreg:$0x1] =	wrdreg $0xFFFFFFFF  }
0xb3: {  	[dreg:$0x0] =	wrdreg $0x60  }
0xb4: {  	[dreg:$0x2] =	wrdreg s16  }
0xb5: {  	[dreg:$0x3] =	wrdreg s24  }
0xb6: {  	[dreg:$0x4] =	wrdreg $0x41000  }
0xb7: {  	[dreg:$0x5] =	wrdreg $0x9  }
0xb8: {  	_ =	task.clear_ibuf [dreg:s7], $0x6FFFF;
	_ =	strace $0x90000049  }
0xb9: {  	s29 =	simm.s32 $0x9;
	_ =	strace $0x8000004B  }
0xba: {  	_ =	swait.ge [sflag:s29], $0x1  }
0xbb: {  	[sflag:s29] =	ssyncadd.s32 $0xFFFFFFFF  }
0xbc: {  	_ =	strace $0x9000004B  }
0xbd: {  	_ =	sfence  }
0xbe: {  	s30 =	sld [smem:$0x0];
	_ =	sdelay $0x2  }
0xbf: {  	s31 =	sshll.u32 s1, $0xD;
	s1 =	sshrl.u32 s1, $0x2  }
0xc0: {  	s3 =	sand.u32 $0x4000, s31;
	s1 =	sadd.s32 s1, s30  }
0xc1: {  	s0 =	sor.u32 s3, s0;
	s1 =	sshll.u32 s1, $0x11  }
0xc2: {  	s0 =	sor.u32 s1, s0  }
0xc3: {  	s0 =	sadd.s32 $0x8F2B, s0  }
0xc4: {  	[sflag:s0] =	ssyncadd.remote.s32 $0x1  }
0xc5: {  	_ =	sfence.sel $0xFFFF  }
0xc6: {  	[dreg:$0x0] =	wrdreg $0xFFFFFFFF;
	(pc) =	sbr.abs _section_cstart, $3  }
0xc7: {  	[dreg:$0x1] =	wrdreg $0xFFFFFFFF  }
0xc8: {  	_ =	task.clear_ibuf [dreg:s7], $0x2FFFF;
	_ =	strace $0x9FFFFFFF  }
0xc9: {  	(tm) =	ssettm $0x7FFFFFFF  }
tec
execute0_lowered:
.L_overlay_start_1:
0x0: {  	(tag) =	ssettag $0x1  }
0x1: {  	s0 =	rddreg [dreg:$0x0]  }
0x2: {  	s6 =	rddreg [dreg:$0x1];
	s1 =	srdreg.scid  }
0x3: {  	s3 =	rddreg [dreg:$0x2];
	s2 =	stileid.u32  }
0x4: {  	s4 =	simm.s32 $0x0;
	s14 =	simm.s32 $0x100;
	s8 =	smul.u32 $0x13C00, s2  }
0x5: {  	s15 =	simm.s32 $0x1;
	s16 =	simm.s32 $0x0;
	s9 =	smul.u32 $0x9E0, s2  }
0x6: {  	s7 =	sand.u32 $0x1, s1;
	s1 =	rddreg [dreg:$0x3];
	s10 =	smul.u32 $0x4F000, s2  }
0x7: {  	[smem:$0x7FF] =	sst s4;
	s30 =	sshll.u32 s2, $0x6;
	s5 =	smul.u32 $0x13C000, s7  }
0x8: {  	_ =	strace $0x8000004A;
	s29 =	ssub.s32 $0x2, s7;
	s12 =	smul.u32 $0x4F0, s7  }
0x9: {  	s26 =	sadd.s32 s9, s6;
	s11 =	sshrl.u32 s29, $0x1;
	s10 =	sshrl.u32 s10, $0x2  }
0xa: {  	s5 =	sadd.s32 s8, s5;
	s11 =	ssub.s32 s29, s11;
	s13 =	sadd.s32 s10, s3  }
0xb: {  	s31 =	sadd.s32 s12, s26;
	s12 =	simm.s32 $0x2;
	s28 =	sshrl.u32 s5, $0x3  }
0xc: {  	s5 =	sadd.s32 $0x36200, s6;
	s8 =	smax.u32 s11, $0x1;
	s10 =	sadd.s32 $0x5E800, s31  }
0xd: {  	s11 =	sshrl.u32 s13, $0x3;
	s13 =	simm.s32 $0x80;
	s9 =	sadd.s32 s28, s6  }
0xe: {  	s6 =	sor.u32 $0x1C02, s30;
	s7 =	sadd.s32 $0x68600, s9;
	s9 =	sadd.s32 $0x5200, s31  }
.LBB2_1:
0xf: {  	[spmem:s11], [sflag:s6] =	dma.local [hbm:s5], $0x2780  }
0x10: {  	_ =	swait.ge [sflag:s12], $0x2780  }
0x11: {  	[sflag:s12] =	ssyncset.done $0x0  }
0x12: {  	[sflag:s12] =	ssyncadd.s32 $0xFFFFD880  }
0x13: {  	s17 =	sadd.s32 $0x0, s10;
	[bflag:$0x0] =	sbarrier.arrive $0xFFFF  }
0x14: {  	[tilespmem:s4], [sflag:$0x2] =	stream.linear.gather [hbm4b:s17+s4], $0x80, $0x38;
	[tilespmem:$0x17D00] =	vst v63  }
0x15: {  	_ =	swait.ge [sflag:s12], $0x80  }
0x16: {  	[sflag:s12] =	ssyncset.done $0x0  }
0x17: {  	s31 =	sadd.s32 $0x0, s9;
	[sflag:s12] =	ssyncadd.s32 $0xFFFFFF80  }
0x18: {  	[tilespmem:s13], [sflag:$0x2] =	stream.linear.gather [hbm4b:s31+s4], $0x80, $0x38;
	[tilespmem:$0x17D00] =	vst v63  }
0x19: {  	_ =	swait.ge [sflag:s12], $0x80  }
0x1a: {  	[sflag:s12] =	ssyncset.done $0x0  }
0x1b: {  	[sflag:s12] =	ssyncadd.s32 $0xFFFFFF80  }
0x1c: {  	[tilespmem:s14], [sflag:$0x1] =	stream.indirect.gather [hbm4b:s0+s13], $0x80, s4, s13, $0xb8;
	[tilespmem:$0x17D00] =	vst v63  }
0x1d: {  	_ =	swait.ge [sflag:s15], $0x4000  }
0x1e: {  	[sflag:s15] =	ssyncset.done $0x0  }
0x1f: {  	[sflag:s15] =	ssyncadd.s32 $0xFFFFC000  }
0x20: {  	[spmem:s3] =	stream.indirect.scatter.add.f32 [tilespmem:s14], [sflag:$0x2], $0x80, s13, s13, $0xb8;
	[tilespmem:$0x17D00] =	vst v63  }
0x21: {  	_ =	swait.ge [sflag:s12], $0x4000  }
0x22: {  	s18 =	simm.s32 $0x20;
	s17 =	simm.s32 $0x10;
	[sflag:s12] =	ssyncset.done $0x0  }
.LBB2_2:
0x23: {  	s19 =	sadd.s32 s17, s10  }
0x24: {  	[sflag:s12] =	ssyncadd.s32 $0xFFFFC000;
	s20 =	smov.u32 s18;
	s21 =	sadd.s32 $0x10, s18  }
0x25: {  	[tilespmem:s4], [sflag:$0x2] =	stream.linear.gather [hbm4b:s19+s4], $0x80, $0x38;
	[tilespmem:$0x17D00] =	vst v63  }
0x26: {  	p0 =	sne.s32 s18, $0x4E0;
	_ =	swait.ge [sflag:s12], $0x80  }
0x27: {  	[sflag:s12] =	ssyncset.done $0x0  }
0x28: {  	s18 =	sadd.s32 s17, s9;
	s17 =	smov.u32 s20;
	[sflag:s12] =	ssyncadd.s32 $0xFFFFFF80  }
0x29: {  	[tilespmem:s13], [sflag:$0x2] =	stream.linear.gather [hbm4b:s18+s4], $0x80, $0x38;
	[tilespmem:$0x17D00] =	vst v63  }
0x2a: {  	_ =	swait.ge [sflag:s12], $0x80  }
0x2b: {  	[sflag:s12] =	ssyncset.done $0x0  }
0x2c: {  	[sflag:s12] =	ssyncadd.s32 $0xFFFFFF80  }
0x2d: {  	[tilespmem:s14], [sflag:$0x1] =	stream.indirect.gather [hbm4b:s0+s13], $0x80, s4, s13, $0xb8;
	[tilespmem:$0x17D00] =	vst v63  }
0x2e: {  	_ =	swait.ge [sflag:s15], $0x4000  }
.Ltmp0:
0x2f: {  	[sflag:s15] =	ssyncset.done $0x0;
	(pc) =	sbr.rel @p0 .LBB2_2-.Ltmp0, $4  }
0x30: {  	[sflag:s15] =	ssyncadd.s32 $0xFFFFC000  }
0x31: {  	[spmem:s3] =	stream.indirect.scatter.add.f32 [tilespmem:s14], [sflag:$0x2], $0x80, s13, s13, $0xb8;
	[tilespmem:$0x17D00] =	vst v63  }
0x32: {  	_ =	swait.ge [sflag:s12], $0x4000  }
0x33: {  	s18 =	smov.u32 s21;
	[sflag:s12] =	ssyncset.done $0x0  }
0x34: {  	s18 =	sadd.s32 s17, s10;
	[sflag:s12] =	ssyncadd.s32 $0xFFFFC000  }
0x35: {  	[tilespmem:s4], [sflag:$0x2] =	stream.linear.gather [hbm4b:s18+s4], $0x80, $0x38;
	[tilespmem:$0x17D00] =	vst v63  }
0x36: {  	_ =	swait.ge [sflag:s12], $0x80  }
0x37: {  	[sflag:s12] =	ssyncset.done $0x0  }
0x38: {  	s31 =	sadd.s32 s17, s9;
	[sflag:s12] =	ssyncadd.s32 $0xFFFFFF80  }
0x39: {  	[tilespmem:s13], [sflag:$0x2] =	stream.linear.gather [hbm4b:s31+s4], $0x80, $0x38;
	[tilespmem:$0x17D00] =	vst v63  }
0x3a: {  	_ =	swait.ge [sflag:s12], $0x80  }
0x3b: {  	[sflag:s12] =	ssyncset.done $0x0  }
0x3c: {  	[sflag:s12] =	ssyncadd.s32 $0xFFFFFF80  }
0x3d: {  	[tilespmem:s14], [sflag:$0x1] =	stream.indirect.gather [hbm4b:s0+s13], $0x80, s4, s13, $0xb8;
	[tilespmem:$0x17D00] =	vst v63  }
0x3e: {  	_ =	swait.ge [sflag:s15], $0x4000  }
0x3f: {  	[sflag:s15] =	ssyncset.done $0x0  }
0x40: {  	[sflag:s15] =	ssyncadd.s32 $0xFFFFC000  }
0x41: {  	[spmem:s3] =	stream.indirect.scatter.add.f32 [tilespmem:s14], [sflag:$0x2], $0x80, s13, s13, $0xb8;
	[tilespmem:$0x17D00] =	vst v63  }
0x42: {  	_ =	swait.ge [sflag:s12], $0x4000  }
0x43: {  	s16 =	sadd.s32 $0x1, s16;
	[sflag:s12] =	ssyncset.done $0x0  }
0x44: {  	p0 =	sne.s32 s16, s8;
	[sflag:s12] =	ssyncadd.s32 $0xFFFFC000  }
.Ltmp1:
0x45: {  	[bflag:$0x0] =	sbarrier.arrive $0xFFFF;
	(pc) =	sbr.rel @p0 .LBB2_1-.Ltmp1, $4  }
0x46: {  	[hbm:s7], [sflag:s6] =	dma.local [spmem:s11], $0x2780  }
0x47: {  	_ =	swait.ge [sflag:s12], $0x2780  }
0x48: {  	[sflag:s12] =	ssyncset.done $0x0  }
0x49: {  	[sflag:s12] =	ssyncadd.s32 $0xFFFFD880  }
0x4a: {  	_ =	sfence.sel $0x180000  }
0x4b: {  	[bflag:$0x0] =	sbarrier.arrive $0xFFFF  }
0x4c: {  	p0 =	sne.s32 s2, $0x0;
	_ =	strace $0x9000004A  }
0x4d: {  	s0 =	sadd.s32 @!p0 $0x100000, s1;
	[bflag:$0x2] =	sbarrier.arrive $0xFFFF  }
0x4e: {  	[sflag:s0] =	ssyncadd.tile.s32 @!p0 $0x1;
	_ =	shalt  }
.Lfunc_end2:
_tile_overlayer_lowered:
.L_overlay_start_2:
0x4f: {  	(tag) =	ssettag $0x2  }
0x50: {  	s0 =	rddreg [dreg:$0x0];
	s2 =	stileid.u32  }
0x51: {  	s1 =	rddreg [dreg:$0x1];
	p0 =	sne.s32 s2, $0x0  }
0x52: {  	s3 =	rddreg [dreg:$0x2];
	[bflag:$0x3] =	sbarrier.arrive $0xFFFF;
	s2 =	simm.s32 @!p0 $0x1C02  }
0x53: {  	[timem:s3], [sflag:s2] =	dma.local @!p0 [hbm:s0], s1  }
0x54: {  	s0 =	simm.s32 @!p0 $0x2  }
0x55: {  	_ =	swait.ge @!p0 [sflag:s0], s1  }
0x56: {  	s1 =	ssub.s32 @!p0 $0x0, s1;
	[sflag:s0] =	ssyncset.done @!p0 $0x0  }
0x57: {  	[sflag:s0] =	ssyncadd.s32 @!p0 s1  }
0x58: {  	[bflag:$0x3] =	sbarrier.arrive $0xFFFF  }
0x59: {  	_ =	shalt  }

// kernel: kernel.18.cloned.1.call-start
scs
__scs_entry_jumppad:
0x0: {  	(pc) =	sbr.rel $0x88, $3  }
0x1: {  	(tag) =	ssettag $0x0;
	lr =	simm.s32 $0x1  }
0x2: {  	[smem:$0x3F8E] =	sst lr;
	_ =	strace $0xD0000000  }
0x3: {  	_ = 	snop  }
0x4: {  	_ = 	snop  }
0x5: {  	_ = 	snop  }
0x6: {  	_ = 	snop  }
0x7: {  	_ = 	snop  }
__scs_overlays_trampoline_lowered:
0x8: {  	[smem:$0x3F9D] =	sst s0  }
0x9: {  	[smem:$0x3F9E] =	sst s1  }
0xa: {  	[smem:$0x3F9F] =	sst s2  }
0xb: {  	[smem:$0x3FA0] =	sst s3  }
0xc: {  	[smem:$0x3FA1] =	sst s4  }
0xd: {  	[smem:$0x3FA2] =	sst s5  }
0xe: {  	[smem:$0x3FA3] =	sst s6  }
0xf: {  	[smem:$0x3FA4] =	sst s7  }
0x10: {  	[smem:$0x3FA5] =	sst s8  }
0x11: {  	[smem:$0x3FA6] =	sst s9;
	s0 =	simm.s32 @!p0 $0x0  }
0x12: {  	s1 =	sld [smem:$0x3F8C];
	s0 =	simm.s32 @p0 $0x1  }
0x13: {  	[smem:$0x3FA7] =	sst s0;
	s0 =	simm.s32 @!p1 $0x0  }
0x14: {  	s2 =	sld [smem:$0x3F8B];
	s0 =	simm.s32 @p1 $0x1  }
0x15: {  	[smem:$0x3FA8] =	sst s0;
	s0 =	simm.s32 @!p2 $0x0  }
0x16: {  	s3 =	sld [smem:$0x3FDB];
	s0 =	simm.s32 @p2 $0x1  }
0x17: {  	s4 =	simm.s32 $0x1BF5;
	[smem:$0x3FAA] =	sst s0  }
0x18: {  	s0 =	sld [smem:$0x3F8D];
	_ =	swait.ge [sflag:s4], $0x0  }
0x19: {  	s7 =	sld [smem:$0x3F8E]  }
0x1a: {  	s8 =	sadd.s32 $0xFFFFE003, lr  }
0x1b: {  	s9 =	sadd.s32 $0xFFFFFEF7, lr;
	s5 =	simm.s32 $0xFFFFFFFF;
	p2 =	slt.u32 s8, $0xFFFFF086  }
0x1c: {  	p1 =	slt.u32 s9, $0xF7A;
	s5 =	simm.s32 @!p2 $0x0  }
0x1d: {  	s5 =	simm.s32 @p1 $0x1;
	p0 =	seq.s32 s7, s2  }
0x1e: {  	s7 =	smul.u32 @!p0 $0xF7A, s2;
	p2 =	seq.s32 @!p0 s5, $0x0  }
0x1f: {  	s9 =	smul.u32 $0xF7A, s1;
	s8 =	simm.s32 @!p0 $0x1BF5;
	p2 =	por !p2, p0  }
0x20: {  	[sflag:s8] =	ssyncset.s32 @!p0 $0xFFFFF086;
	s6 =	sadd.s32 @!p0 s3, s7;
	s7 =	simm.s32 @!p0 $0x108  }
0x21: {  	s3 =	sadd.s32 s3, s9;
	s6 =	sadd.s32 @!p0 $0x88, s6;
	s7 =	simm.s32 @p2 $0x1082  }
0x22: {  	[simem:s7], [sflag:s8] =	dma.local @!p0 [hbm:s6], $0xF7A  }
0x23: {  	s9 =	sor.u32 $0xD0000000, s2;
	s6 =	simm.s32 $0x108;
	_ =	swait.ge @!p0 [sflag:s8], $0x0  }
0x24: {  	s3 =	sadd.s32 $0x88, s3;
	s6 =	simm.s32 @!p1 $0x1082;
	[sflag:s4] =	ssyncset.s32 $0xFFFFF086  }
0x25: {  	[simem:s6], [sflag:s4] =	dma.local [hbm:s3], $0xF7A  }
0x26: {  	[smem:$0x3F8E] =	sst s1;
	(tag) =	ssettag s2;
	_ =	strace s9  }
0x27: {  	s1 =	sld [smem:$0x3F9E]  }
0x28: {  	s2 =	sld [smem:$0x3F9F]  }
0x29: {  	s4 =	sld [smem:$0x3FA1]  }
0x2a: {  	p0 =	seq.s32 s5, $0x0;
	s5 =	sld [smem:$0x3FA2]  }
0x2b: {  	s6 =	sld [smem:$0x3FA3]  }
0x2c: {  	s7 =	sld [smem:$0x3FA4]  }
0x2d: {  	s3 =	simm.s32 $0x108;
	s8 =	sld [smem:$0x3FA5]  }
0x2e: {  	s3 =	simm.s32 @!p0 $0x1082;
	s9 =	sld [smem:$0x3FA6]  }
0x2f: {  	lr =	sadd.s32 s0, s3;
	s0 =	sld [smem:$0x3F9D]  }
0x30: {  	s3 =	sld [smem:$0x3FA0]  }
0x31: {  	[smem:$0x3FA9] =	sst s10  }
0x32: {  	s10 =	sld [smem:$0x3FA7];
	_ =	sdelay $0x3  }
0x33: {  	p0 =	seq.s32 s10, $0x1;
	s10 =	sld [smem:$0x3FA9];
	_ =	sdelay $0x3  }
0x34: {  	[smem:$0x3FA9] =	sst s10  }
0x35: {  	s10 =	sld [smem:$0x3FA8];
	_ =	sdelay $0x3  }
0x36: {  	p1 =	seq.s32 s10, $0x1;
	s10 =	sld [smem:$0x3FA9];
	_ =	sdelay $0x3  }
0x37: {  	[smem:$0x3FA9] =	sst s10  }
0x38: {  	s10 =	sld [smem:$0x3FAA]  }
0x39: {  	_ = 	snop;
	(pc) =	sbr.ind lr, $3  }
0x3a: {  	_ = 	snop  }
0x3b: {  	_ = 	snop  }
0x3c: {  	p2 =	seq.s32 s10, $0x1;
	s10 =	sld [smem:$0x3FA9]  }
0x3d: {  	_ =	shalt  }
0x3e: {  	_ =	shalt  }
0x3f: {  	_ =	shalt  }
0x40: {  	_ =	shalt  }
0x41: {  	_ =	shalt  }
0x42: {  	_ =	shalt  }
0x43: {  	_ =	shalt  }
0x44: {  	_ =	shalt  }
0x45: {  	_ =	shalt  }
0x46: {  	_ =	shalt  }
0x47: {  	_ =	shalt  }
0x48: {  	_ =	shalt  }
0x49: {  	_ =	shalt  }
0x4a: {  	_ =	shalt  }
0x4b: {  	_ =	shalt  }
0x4c: {  	_ =	shalt  }
0x4d: {  	_ =	shalt  }
0x4e: {  	_ =	shalt  }
0x4f: {  	_ =	shalt  }
0x50: {  	_ =	shalt  }
0x51: {  	_ =	shalt  }
0x52: {  	_ =	shalt  }
0x53: {  	_ =	shalt  }
0x54: {  	_ =	shalt  }
0x55: {  	_ =	shalt  }
0x56: {  	_ =	shalt  }
0x57: {  	_ =	shalt  }
0x58: {  	_ =	shalt  }
0x59: {  	_ =	shalt  }
0x5a: {  	_ =	shalt  }
0x5b: {  	_ =	shalt  }
0x5c: {  	_ =	shalt  }
0x5d: {  	_ =	shalt  }
0x5e: {  	_ =	shalt  }
0x5f: {  	_ =	shalt  }
0x60: {  	_ =	shalt  }
0x61: {  	_ =	shalt  }
0x62: {  	_ =	shalt  }
0x63: {  	_ =	shalt  }
0x64: {  	_ =	shalt  }
0x65: {  	_ =	shalt  }
0x66: {  	_ =	shalt  }
0x67: {  	_ =	shalt  }
0x68: {  	_ =	shalt  }
0x69: {  	_ =	shalt  }
0x6a: {  	_ =	shalt  }
0x6b: {  	_ =	shalt  }
0x6c: {  	_ =	shalt  }
0x6d: {  	_ =	shalt  }
0x6e: {  	_ =	shalt  }
0x6f: {  	_ =	shalt  }
0x70: {  	_ =	shalt  }
0x71: {  	_ =	shalt  }
0x72: {  	_ =	shalt  }
0x73: {  	_ =	shalt  }
0x74: {  	_ =	shalt  }
0x75: {  	_ =	shalt  }
0x76: {  	_ =	shalt  }
0x77: {  	_ =	shalt  }
0x78: {  	_ =	shalt  }
0x79: {  	_ =	shalt  }
0x7a: {  	_ =	shalt  }
0x7b: {  	_ =	shalt  }
0x7c: {  	_ =	shalt  }
0x7d: {  	_ =	shalt  }
0x7e: {  	_ =	shalt  }
0x7f: {  	_ =	shalt  }
0x80: {  	_ =	shalt  }
0x81: {  	_ =	shalt  }
0x82: {  	_ =	shalt  }
0x83: {  	_ =	shalt  }
0x84: {  	_ =	shalt  }
0x85: {  	_ =	shalt  }
0x86: {  	_ =	shalt  }
0x87: {  	_ =	shalt  }
.Lfunc_end0:
.L_simem_size_0:
called_computation.2_lowered:
.L_overlay_start_0:
0x88: {  	s2 =	sld [smem:$0x3FD9]  }
0x89: {  	s3 =	sld [smem:$0x3FFE];
	_ =	sdelay $0x1  }
0x8a: {  	s1 =	srdreg.scid  }
0x8b: {  	s0 =	sand.u32 $0x1, s1  }
0x8c: {  	s14 =	sshll.u32 s0, $0xA;
	s2 =	sadd.s32 s3, s2  }
0x8d: {  	s2 =	sadd.s32 s2, s14  }
0x8e: {  	[smem:$0x3FB5] =	sst s2  }
0x8f: {  	_ = 	snop  }
0x90: {  	s2 =	sld [smem:$0x3FD0];
	_ =	sdelay $0x2  }
0x91: {  	s15 =	simm.s32 $0xA;
	s4 =	simm.s32 $0x10  }
0x92: {  	[smem:s4], [sflag:s15] =	dma.local [hbm:s2], $0x1  }
0x93: {  	_ =	swait.eq [sflag:s15], $0x1  }
0x94: {  	[sflag:s15] =	ssyncset.done $0x0  }
0x95: {  	[sflag:s15] =	ssyncadd.s32 $0xFFFFFFFF  }
0x96: {  	s16 =	sld [smem:$0x11];
	(tm) =	ssettm $0x1  }
0x97: {  	s17 =	sld [smem:$0x3FFB];
	_ =	sdelay $0x3  }
0x98: {  	_ =	strace s17  }
0x99: {  	s3 =	sld [smem:$0x3FFC];
	_ =	sdelay $0x3  }
0x9a: {  	_ =	strace s3  }
0x9b: {  	s3 =	sld [smem:$0x3FFD];
	_ =	sdelay $0x3  }
0x9c: {  	_ =	strace s3  }
0x9d: {  	_ =	strace $0x8FFFFFFF  }
0x9e: {  	s18 =	sld [smem:$0x3FDB];
	_ =	sdelay $0x1  }
0x9f: {  	s19 =	simm.s32 $_scs_section_size  }
0xa0: {  	s5 =	simm.s32 $_size__tile_overlayer_lowered;
	s6 =	simm.s32 $_tile_overlayer_lowered  }
0xa1: {  	s22 =	simm.s32 $0x1BFF;
	s21 =	sshll.u32 s6, $0x1;
	s3 =	sadd.s32 s19, s18  }
0xa2: {  	s7 =	simm.s32 $0x0;
	s20 =	sshll.u32 s5, $0x1;
	s5 =	sadd.s32 s21, s3  }
0xa3: {  	[timem:s7], [sflag:s22] =	dma.local [hbm:s5], s20  }
0xa4: {  	_ =	swait.ge [sflag:s22], s20  }
0xa5: {  	s4 =	ssub.s32 $0x0, s20;
	[sflag:s22] =	ssyncset.done $0x0  }
0xa6: {  	[sflag:s22] =	ssyncadd.s32 s4;
	_ =	sdelay $0x1  }
0xa7: {  	s23 =	simm.s32 $0x1B8B  }
0xa8: {  	_ =	swait.ge [sflag:s23], $0x1  }
0xa9: {  	[sflag:s23] =	ssyncset.done $0x0  }
0xaa: {  	s25 =	simm.s32 $0x1B8E;
	s24 =	sld [smem:$0x3FFE];
	[sflag:s23] =	ssyncadd.s32 $0xFFFFFFFF  }
0xab: {  	s26 =	simm.s32 $execute0_lowered;
	[smem:$0x3FD2] =	sst s25  }
0xac: {  	s5 =	sshll.u32 s26, $0x1;
	_ =	strace $0x8000004C;
	[dreg:$0x1] =	wrdreg $0xFFFFFFFF  }
0xad: {  	s28 =	simm.s32 $_size_execute0_lowered;
	s3 =	sadd.s32 s3, s5;
	[dreg:$0x0] =	wrdreg $0x0  }
0xae: {  	s5 =	sshll.u32 s28, $0x1;
	[dreg:$0x2] =	wrdreg s3  }
0xaf: {  	[dreg:$0x3] =	wrdreg s5  }
0xb0: {  	[dreg:$0x4] =	wrdreg $0xC0  }
0xb1: {  	_ =	task [dreg:s7], $0x5FFFF  }
0xb2: {  	[dreg:$0x1] =	wrdreg $0xFFFFFFFF  }
0xb3: {  	[dreg:$0x0] =	wrdreg $0x60  }
0xb4: {  	[dreg:$0x2] =	wrdreg s16  }
0xb5: {  	[dreg:$0x3] =	wrdreg s24  }
0xb6: {  	[dreg:$0x4] =	wrdreg $0x41000  }
0xb7: {  	[dreg:$0x5] =	wrdreg $0x9  }
0xb8: {  	_ =	task.clear_ibuf [dreg:s7], $0x6FFFF;
	_ =	strace $0x9000004C  }
0xb9: {  	s29 =	simm.s32 $0x9;
	_ =	strace $0x8000004E  }
0xba: {  	_ =	swait.ge [sflag:s29], $0x1  }
0xbb: {  	[sflag:s29] =	ssyncadd.s32 $0xFFFFFFFF  }
0xbc: {  	_ =	strace $0x9000004E  }
0xbd: {  	_ =	sfence  }
0xbe: {  	s30 =	sld [smem:$0x0];
	_ =	sdelay $0x2  }
0xbf: {  	s31 =	sshll.u32 s1, $0xD;
	s1 =	sshrl.u32 s1, $0x2  }
0xc0: {  	s3 =	sand.u32 $0x4000, s31;
	s1 =	sadd.s32 s1, s30  }
0xc1: {  	s0 =	sor.u32 s3, s0;
	s1 =	sshll.u32 s1, $0x11  }
0xc2: {  	s0 =	sor.u32 s1, s0  }
0xc3: {  	s0 =	sadd.s32 $0x8F2B, s0  }
0xc4: {  	[sflag:s0] =	ssyncadd.remote.s32 $0x1  }
0xc5: {  	_ =	sfence.sel $0xFFFF  }
0xc6: {  	[dreg:$0x0] =	wrdreg $0xFFFFFFFF;
	(pc) =	sbr.abs _section_cstart, $3  }
0xc7: {  	[dreg:$0x1] =	wrdreg $0xFFFFFFFF  }
0xc8: {  	_ =	task.clear_ibuf [dreg:s7], $0x2FFFF;
	_ =	strace $0x9FFFFFFF  }
0xc9: {  	(tm) =	ssettm $0x7FFFFFFF  }
tec
execute0_lowered:
.L_overlay_start_1:
0x0: {  	(tag) =	ssettag $0x1  }
0x1: {  	s0 =	rddreg [dreg:$0x0]  }
0x2: {  	s6 =	rddreg [dreg:$0x1];
	s1 =	srdreg.scid  }
0x3: {  	s3 =	rddreg [dreg:$0x2];
	s2 =	stileid.u32  }
0x4: {  	s4 =	simm.s32 $0x0;
	s14 =	simm.s32 $0x100;
	s8 =	smul.u32 $0x13C00, s2  }
0x5: {  	s15 =	simm.s32 $0x1;
	s16 =	simm.s32 $0x0;
	s9 =	smul.u32 $0x9E0, s2  }
0x6: {  	s7 =	sand.u32 $0x1, s1;
	s1 =	rddreg [dreg:$0x3];
	s10 =	smul.u32 $0x4F000, s2  }
0x7: {  	[smem:$0x7FF] =	sst s4;
	s30 =	sshll.u32 s2, $0x6;
	s5 =	smul.u32 $0x13C000, s7  }
0x8: {  	_ =	strace $0x8000004D;
	s29 =	ssub.s32 $0x2, s7;
	s12 =	smul.u32 $0x4F0, s7  }
0x9: {  	s26 =	sadd.s32 s9, s6;
	s11 =	sshrl.u32 s29, $0x1;
	s10 =	sshrl.u32 s10, $0x2  }
0xa: {  	s5 =	sadd.s32 s8, s5;
	s11 =	ssub.s32 s29, s11;
	s13 =	sadd.s32 s10, s3  }
0xb: {  	s31 =	sadd.s32 s12, s26;
	s12 =	simm.s32 $0x2;
	s28 =	sshrl.u32 s5, $0x3  }
0xc: {  	s5 =	sadd.s32 $0x36200, s6;
	s8 =	smax.u32 s11, $0x1;
	s10 =	sadd.s32 $0x5E800, s31  }
0xd: {  	s11 =	sshrl.u32 s13, $0x3;
	s13 =	simm.s32 $0x80;
	s9 =	sadd.s32 s28, s6  }
0xe: {  	s6 =	sor.u32 $0x1C02, s30;
	s7 =	sadd.s32 $0x68600, s9;
	s9 =	sadd.s32 $0x5200, s31  }
.LBB2_1:
0xf: {  	[spmem:s11], [sflag:s6] =	dma.local [hbm:s5], $0x2780  }
0x10: {  	_ =	swait.ge [sflag:s12], $0x2780  }
0x11: {  	[sflag:s12] =	ssyncset.done $0x0  }
0x12: {  	[sflag:s12] =	ssyncadd.s32 $0xFFFFD880  }
0x13: {  	s17 =	sadd.s32 $0x0, s10;
	[bflag:$0x0] =	sbarrier.arrive $0xFFFF  }
0x14: {  	[tilespmem:s4], [sflag:$0x2] =	stream.linear.gather [hbm4b:s17+s4], $0x80, $0x38;
	[tilespmem:$0x17D00] =	vst v63  }
0x15: {  	_ =	swait.ge [sflag:s12], $0x80  }
0x16: {  	[sflag:s12] =	ssyncset.done $0x0  }
0x17: {  	s31 =	sadd.s32 $0x0, s9;
	[sflag:s12] =	ssyncadd.s32 $0xFFFFFF80  }
0x18: {  	[tilespmem:s13], [sflag:$0x2] =	stream.linear.gather [hbm4b:s31+s4], $0x80, $0x38;
	[tilespmem:$0x17D00] =	vst v63  }
0x19: {  	_ =	swait.ge [sflag:s12], $0x80  }
0x1a: {  	[sflag:s12] =	ssyncset.done $0x0  }
0x1b: {  	[sflag:s12] =	ssyncadd.s32 $0xFFFFFF80  }
0x1c: {  	[tilespmem:s14], [sflag:$0x1] =	stream.indirect.gather [hbm4b:s0+s13], $0x80, s4, s13, $0xb8;
	[tilespmem:$0x17D00] =	vst v63  }
0x1d: {  	_ =	swait.ge [sflag:s15], $0x4000  }
0x1e: {  	[sflag:s15] =	ssyncset.done $0x0  }
0x1f: {  	[sflag:s15] =	ssyncadd.s32 $0xFFFFC000  }
0x20: {  	[spmem:s3] =	stream.indirect.scatter.add.f32 [tilespmem:s14], [sflag:$0x2], $0x80, s13, s13, $0xb8;
	[tilespmem:$0x17D00] =	vst v63  }
0x21: {  	_ =	swait.ge [sflag:s12], $0x4000  }
0x22: {  	s18 =	simm.s32 $0x20;
	s17 =	simm.s32 $0x10;
	[sflag:s12] =	ssyncset.done $0x0  }
.LBB2_2:
0x23: {  	s19 =	sadd.s32 s17, s10  }
0x24: {  	[sflag:s12] =	ssyncadd.s32 $0xFFFFC000;
	s20 =	smov.u32 s18;
	s21 =	sadd.s32 $0x10, s18  }
0x25: {  	[tilespmem:s4], [sflag:$0x2] =	stream.linear.gather [hbm4b:s19+s4], $0x80, $0x38;
	[tilespmem:$0x17D00] =	vst v63  }
0x26: {  	p0 =	sne.s32 s18, $0x4E0;
	_ =	swait.ge [sflag:s12], $0x80  }
0x27: {  	[sflag:s12] =	ssyncset.done $0x0  }
0x28: {  	s18 =	sadd.s32 s17, s9;
	s17 =	smov.u32 s20;
	[sflag:s12] =	ssyncadd.s32 $0xFFFFFF80  }
0x29: {  	[tilespmem:s13], [sflag:$0x2] =	stream.linear.gather [hbm4b:s18+s4], $0x80, $0x38;
	[tilespmem:$0x17D00] =	vst v63  }
0x2a: {  	_ =	swait.ge [sflag:s12], $0x80  }
0x2b: {  	[sflag:s12] =	ssyncset.done $0x0  }
0x2c: {  	[sflag:s12] =	ssyncadd.s32 $0xFFFFFF80  }
0x2d: {  	[tilespmem:s14], [sflag:$0x1] =	stream.indirect.gather [hbm4b:s0+s13], $0x80, s4, s13, $0xb8;
	[tilespmem:$0x17D00] =	vst v63  }
0x2e: {  	_ =	swait.ge [sflag:s15], $0x4000  }
.Ltmp0:
0x2f: {  	[sflag:s15] =	ssyncset.done $0x0;
	(pc) =	sbr.rel @p0 .LBB2_2-.Ltmp0, $4  }
0x30: {  	[sflag:s15] =	ssyncadd.s32 $0xFFFFC000  }
0x31: {  	[spmem:s3] =	stream.indirect.scatter.add.f32 [tilespmem:s14], [sflag:$0x2], $0x80, s13, s13, $0xb8;
	[tilespmem:$0x17D00] =	vst v63  }
0x32: {  	_ =	swait.ge [sflag:s12], $0x4000  }
0x33: {  	s18 =	smov.u32 s21;
	[sflag:s12] =	ssyncset.done $0x0  }
0x34: {  	s18 =	sadd.s32 s17, s10;
	[sflag:s12] =	ssyncadd.s32 $0xFFFFC000  }
0x35: {  	[tilespmem:s4], [sflag:$0x2] =	stream.linear.gather [hbm4b:s18+s4], $0x80, $0x38;
	[tilespmem:$0x17D00] =	vst v63  }
0x36: {  	_ =	swait.ge [sflag:s12], $0x80  }
0x37: {  	[sflag:s12] =	ssyncset.done $0x0  }
0x38: {  	s31 =	sadd.s32 s17, s9;
	[sflag:s12] =	ssyncadd.s32 $0xFFFFFF80  }
0x39: {  	[tilespmem:s13], [sflag:$0x2] =	stream.linear.gather [hbm4b:s31+s4], $0x80, $0x38;
	[tilespmem:$0x17D00] =	vst v63  }
0x3a: {  	_ =	swait.ge [sflag:s12], $0x80  }
0x3b: {  	[sflag:s12] =	ssyncset.done $0x0  }
0x3c: {  	[sflag:s12] =	ssyncadd.s32 $0xFFFFFF80  }
0x3d: {  	[tilespmem:s14], [sflag:$0x1] =	stream.indirect.gather [hbm4b:s0+s13], $0x80, s4, s13, $0xb8;
	[tilespmem:$0x17D00] =	vst v63  }
0x3e: {  	_ =	swait.ge [sflag:s15], $0x4000  }
0x3f: {  	[sflag:s15] =	ssyncset.done $0x0  }
0x40: {  	[sflag:s15] =	ssyncadd.s32 $0xFFFFC000  }
0x41: {  	[spmem:s3] =	stream.indirect.scatter.add.f32 [tilespmem:s14], [sflag:$0x2], $0x80, s13, s13, $0xb8;
	[tilespmem:$0x17D00] =	vst v63  }
0x42: {  	_ =	swait.ge [sflag:s12], $0x4000  }
0x43: {  	s16 =	sadd.s32 $0x1, s16;
	[sflag:s12] =	ssyncset.done $0x0  }
0x44: {  	p0 =	sne.s32 s16, s8;
	[sflag:s12] =	ssyncadd.s32 $0xFFFFC000  }
.Ltmp1:
0x45: {  	[bflag:$0x0] =	sbarrier.arrive $0xFFFF;
	(pc) =	sbr.rel @p0 .LBB2_1-.Ltmp1, $4  }
0x46: {  	[hbm:s7], [sflag:s6] =	dma.local [spmem:s11], $0x2780  }
0x47: {  	_ =	swait.ge [sflag:s12], $0x2780  }
0x48: {  	[sflag:s12] =	ssyncset.done $0x0  }
0x49: {  	[sflag:s12] =	ssyncadd.s32 $0xFFFFD880  }
0x4a: {  	_ =	sfence.sel $0x180000  }
0x4b: {  	[bflag:$0x0] =	sbarrier.arrive $0xFFFF  }
0x4c: {  	p0 =	sne.s32 s2, $0x0;
	_ =	strace $0x9000004D  }
0x4d: {  	s0 =	sadd.s32 @!p0 $0x100000, s1;
	[bflag:$0x2] =	sbarrier.arrive $0xFFFF  }
0x4e: {  	[sflag:s0] =	ssyncadd.tile.s32 @!p0 $0x1;
	_ =	shalt  }
.Lfunc_end2:
_tile_overlayer_lowered:
.L_overlay_start_2:
0x4f: {  	(tag) =	ssettag $0x2  }
0x50: {  	s0 =	rddreg [dreg:$0x0];
	s2 =	stileid.u32  }
0x51: {  	s1 =	rddreg [dreg:$0x1];
	p0 =	sne.s32 s2, $0x0  }
0x52: {  	s3 =	rddreg [dreg:$0x2];
	[bflag:$0x3] =	sbarrier.arrive $0xFFFF;
	s2 =	simm.s32 @!p0 $0x1C02  }
0x53: {  	[timem:s3], [sflag:s2] =	dma.local @!p0 [hbm:s0], s1  }
0x54: {  	s0 =	simm.s32 @!p0 $0x2  }
0x55: {  	_ =	swait.ge @!p0 [sflag:s0], s1  }
0x56: {  	s1 =	ssub.s32 @!p0 $0x0, s1;
	[sflag:s0] =	ssyncset.done @!p0 $0x0  }
0x57: {  	[sflag:s0] =	ssyncadd.s32 @!p0 s1  }
0x58: {  	[bflag:$0x3] =	sbarrier.arrive $0xFFFF  }
0x59: {  	_ =	shalt  }

// kernel: kernel.21.cloned.1.call-start
scs
__scs_entry_jumppad:
0x0: {  	(pc) =	sbr.rel $0x88, $3  }
0x1: {  	(tag) =	ssettag $0x0;
	lr =	simm.s32 $0x1  }
0x2: {  	[smem:$0x3F8E] =	sst lr;
	_ =	strace $0xD0000000  }
0x3: {  	_ = 	snop  }
0x4: {  	_ = 	snop  }
0x5: {  	_ = 	snop  }
0x6: {  	_ = 	snop  }
0x7: {  	_ = 	snop  }
__scs_overlays_trampoline_lowered:
0x8: {  	[smem:$0x3F9D] =	sst s0  }
0x9: {  	[smem:$0x3F9E] =	sst s1  }
0xa: {  	[smem:$0x3F9F] =	sst s2  }
0xb: {  	[smem:$0x3FA0] =	sst s3  }
0xc: {  	[smem:$0x3FA1] =	sst s4  }
0xd: {  	[smem:$0x3FA2] =	sst s5  }
0xe: {  	[smem:$0x3FA3] =	sst s6  }
0xf: {  	[smem:$0x3FA4] =	sst s7  }
0x10: {  	[smem:$0x3FA5] =	sst s8  }
0x11: {  	[smem:$0x3FA6] =	sst s9;
	s0 =	simm.s32 @!p0 $0x0  }
0x12: {  	s1 =	sld [smem:$0x3F8C];
	s0 =	simm.s32 @p0 $0x1  }
0x13: {  	[smem:$0x3FA7] =	sst s0;
	s0 =	simm.s32 @!p1 $0x0  }
0x14: {  	s2 =	sld [smem:$0x3F8B];
	s0 =	simm.s32 @p1 $0x1  }
0x15: {  	[smem:$0x3FA8] =	sst s0;
	s0 =	simm.s32 @!p2 $0x0  }
0x16: {  	s3 =	sld [smem:$0x3FDB];
	s0 =	simm.s32 @p2 $0x1  }
0x17: {  	s4 =	simm.s32 $0x1BF5;
	[smem:$0x3FAA] =	sst s0  }
0x18: {  	s0 =	sld [smem:$0x3F8D];
	_ =	swait.ge [sflag:s4], $0x0  }
0x19: {  	s7 =	sld [smem:$0x3F8E]  }
0x1a: {  	s8 =	sadd.s32 $0xFFFFE003, lr  }
0x1b: {  	s9 =	sadd.s32 $0xFFFFFEF7, lr;
	s5 =	simm.s32 $0xFFFFFFFF;
	p2 =	slt.u32 s8, $0xFFFFF086  }
0x1c: {  	p1 =	slt.u32 s9, $0xF7A;
	s5 =	simm.s32 @!p2 $0x0  }
0x1d: {  	s5 =	simm.s32 @p1 $0x1;
	p0 =	seq.s32 s7, s2  }
0x1e: {  	s7 =	smul.u32 @!p0 $0xF7A, s2;
	p2 =	seq.s32 @!p0 s5, $0x0  }
0x1f: {  	s9 =	smul.u32 $0xF7A, s1;
	s8 =	simm.s32 @!p0 $0x1BF5;
	p2 =	por !p2, p0  }
0x20: {  	[sflag:s8] =	ssyncset.s32 @!p0 $0xFFFFF086;
	s6 =	sadd.s32 @!p0 s3, s7;
	s7 =	simm.s32 @!p0 $0x108  }
0x21: {  	s3 =	sadd.s32 s3, s9;
	s6 =	sadd.s32 @!p0 $0x88, s6;
	s7 =	simm.s32 @p2 $0x1082  }
0x22: {  	[simem:s7], [sflag:s8] =	dma.local @!p0 [hbm:s6], $0xF7A  }
0x23: {  	s9 =	sor.u32 $0xD0000000, s2;
	s6 =	simm.s32 $0x108;
	_ =	swait.ge @!p0 [sflag:s8], $0x0  }
0x24: {  	s3 =	sadd.s32 $0x88, s3;
	s6 =	simm.s32 @!p1 $0x1082;
	[sflag:s4] =	ssyncset.s32 $0xFFFFF086  }
0x25: {  	[simem:s6], [sflag:s4] =	dma.local [hbm:s3], $0xF7A  }
0x26: {  	[smem:$0x3F8E] =	sst s1;
	(tag) =	ssettag s2;
	_ =	strace s9  }
0x27: {  	s1 =	sld [smem:$0x3F9E]  }
0x28: {  	s2 =	sld [smem:$0x3F9F]  }
0x29: {  	s4 =	sld [smem:$0x3FA1]  }
0x2a: {  	p0 =	seq.s32 s5, $0x0;
	s5 =	sld [smem:$0x3FA2]  }
0x2b: {  	s6 =	sld [smem:$0x3FA3]  }
0x2c: {  	s7 =	sld [smem:$0x3FA4]  }
0x2d: {  	s3 =	simm.s32 $0x108;
	s8 =	sld [smem:$0x3FA5]  }
0x2e: {  	s3 =	simm.s32 @!p0 $0x1082;
	s9 =	sld [smem:$0x3FA6]  }
0x2f: {  	lr =	sadd.s32 s0, s3;
	s0 =	sld [smem:$0x3F9D]  }
0x30: {  	s3 =	sld [smem:$0x3FA0]  }
0x31: {  	[smem:$0x3FA9] =	sst s10  }
0x32: {  	s10 =	sld [smem:$0x3FA7];
	_ =	sdelay $0x3  }
0x33: {  	p0 =	seq.s32 s10, $0x1;
	s10 =	sld [smem:$0x3FA9];
	_ =	sdelay $0x3  }
0x34: {  	[smem:$0x3FA9] =	sst s10  }
0x35: {  	s10 =	sld [smem:$0x3FA8];
	_ =	sdelay $0x3  }
0x36: {  	p1 =	seq.s32 s10, $0x1;
	s10 =	sld [smem:$0x3FA9];
	_ =	sdelay $0x3  }
0x37: {  	[smem:$0x3FA9] =	sst s10  }
0x38: {  	s10 =	sld [smem:$0x3FAA]  }
0x39: {  	_ = 	snop;
	(pc) =	sbr.ind lr, $3  }
0x3a: {  	_ = 	snop  }
0x3b: {  	_ = 	snop  }
0x3c: {  	p2 =	seq.s32 s10, $0x1;
	s10 =	sld [smem:$0x3FA9]  }
0x3d: {  	_ =	shalt  }
0x3e: {  	_ =	shalt  }
0x3f: {  	_ =	shalt  }
0x40: {  	_ =	shalt  }
0x41: {  	_ =	shalt  }
0x42: {  	_ =	shalt  }
0x43: {  	_ =	shalt  }
0x44: {  	_ =	shalt  }
0x45: {  	_ =	shalt  }
0x46: {  	_ =	shalt  }
0x47: {  	_ =	shalt  }
0x48: {  	_ =	shalt  }
0x49: {  	_ =	shalt  }
0x4a: {  	_ =	shalt  }
0x4b: {  	_ =	shalt  }
0x4c: {  	_ =	shalt  }
0x4d: {  	_ =	shalt  }
0x4e: {  	_ =	shalt  }
0x4f: {  	_ =	shalt  }
0x50: {  	_ =	shalt  }
0x51: {  	_ =	shalt  }
0x52: {  	_ =	shalt  }
0x53: {  	_ =	shalt  }
0x54: {  	_ =	shalt  }
0x55: {  	_ =	shalt  }
0x56: {  	_ =	shalt  }
0x57: {  	_ =	shalt  }
0x58: {  	_ =	shalt  }
0x59: {  	_ =	shalt  }
0x5a: {  	_ =	shalt  }
0x5b: {  	_ =	shalt  }
0x5c: {  	_ =	shalt  }
0x5d: {  	_ =	shalt  }
0x5e: {  	_ =	shalt  }
0x5f: {  	_ =	shalt  }
0x60: {  	_ =	shalt  }
0x61: {  	_ =	shalt  }
0x62: {  	_ =	shalt  }
0x63: {  	_ =	shalt  }
0x64: {  	_ =	shalt  }
0x65: {  	_ =	shalt  }
0x66: {  	_ =	shalt  }
0x67: {  	_ =	shalt  }
0x68: {  	_ =	shalt  }
0x69: {  	_ =	shalt  }
0x6a: {  	_ =	shalt  }
0x6b: {  	_ =	shalt  }
0x6c: {  	_ =	shalt  }
0x6d: {  	_ =	shalt  }
0x6e: {  	_ =	shalt  }
0x6f: {  	_ =	shalt  }
0x70: {  	_ =	shalt  }
0x71: {  	_ =	shalt  }
0x72: {  	_ =	shalt  }
0x73: {  	_ =	shalt  }
0x74: {  	_ =	shalt  }
0x75: {  	_ =	shalt  }
0x76: {  	_ =	shalt  }
0x77: {  	_ =	shalt  }
0x78: {  	_ =	shalt  }
0x79: {  	_ =	shalt  }
0x7a: {  	_ =	shalt  }
0x7b: {  	_ =	shalt  }
0x7c: {  	_ =	shalt  }
0x7d: {  	_ =	shalt  }
0x7e: {  	_ =	shalt  }
0x7f: {  	_ =	shalt  }
0x80: {  	_ =	shalt  }
0x81: {  	_ =	shalt  }
0x82: {  	_ =	shalt  }
0x83: {  	_ =	shalt  }
0x84: {  	_ =	shalt  }
0x85: {  	_ =	shalt  }
0x86: {  	_ =	shalt  }
0x87: {  	_ =	shalt  }
.Lfunc_end0:
.L_simem_size_0:
called_computation.3_lowered:
.L_overlay_start_0:
0x88: {  	s2 =	sld [smem:$0x3FD9]  }
0x89: {  	s3 =	sld [smem:$0x3FFE];
	_ =	sdelay $0x1  }
0x8a: {  	s1 =	srdreg.scid  }
0x8b: {  	s0 =	sand.u32 $0x1, s1  }
0x8c: {  	s14 =	sshll.u32 s0, $0xA;
	s2 =	sadd.s32 s3, s2  }
0x8d: {  	s2 =	sadd.s32 s2, s14  }
0x8e: {  	[smem:$0x3FB5] =	sst s2  }
0x8f: {  	_ = 	snop  }
0x90: {  	s2 =	sld [smem:$0x3FD0];
	_ =	sdelay $0x2  }
0x91: {  	s15 =	simm.s32 $0xA;
	s4 =	simm.s32 $0x10  }
0x92: {  	[smem:s4], [sflag:s15] =	dma.local [hbm:s2], $0x1  }
0x93: {  	_ =	swait.eq [sflag:s15], $0x1  }
0x94: {  	[sflag:s15] =	ssyncset.done $0x0  }
0x95: {  	[sflag:s15] =	ssyncadd.s32 $0xFFFFFFFF  }
0x96: {  	s16 =	sld [smem:$0x11];
	(tm) =	ssettm $0x1  }
0x97: {  	s17 =	sld [smem:$0x3FFB];
	_ =	sdelay $0x3  }
0x98: {  	_ =	strace s17  }
0x99: {  	s3 =	sld [smem:$0x3FFC];
	_ =	sdelay $0x3  }
0x9a: {  	_ =	strace s3  }
0x9b: {  	s3 =	sld [smem:$0x3FFD];
	_ =	sdelay $0x3  }
0x9c: {  	_ =	strace s3  }
0x9d: {  	_ =	strace $0x8FFFFFFF  }
0x9e: {  	s18 =	sld [smem:$0x3FDB];
	_ =	sdelay $0x1  }
0x9f: {  	s19 =	simm.s32 $_scs_section_size  }
0xa0: {  	s5 =	simm.s32 $_size__tile_overlayer_lowered;
	s6 =	simm.s32 $_tile_overlayer_lowered  }
0xa1: {  	s22 =	simm.s32 $0x1BFF;
	s21 =	sshll.u32 s6, $0x1;
	s3 =	sadd.s32 s19, s18  }
0xa2: {  	s7 =	simm.s32 $0x0;
	s20 =	sshll.u32 s5, $0x1;
	s5 =	sadd.s32 s21, s3  }
0xa3: {  	[timem:s7], [sflag:s22] =	dma.local [hbm:s5], s20  }
0xa4: {  	_ =	swait.ge [sflag:s22], s20  }
0xa5: {  	s4 =	ssub.s32 $0x0, s20;
	[sflag:s22] =	ssyncset.done $0x0  }
0xa6: {  	[sflag:s22] =	ssyncadd.s32 s4;
	_ =	sdelay $0x1  }
0xa7: {  	s23 =	simm.s32 $0x1B8B  }
0xa8: {  	_ =	swait.ge [sflag:s23], $0x1  }
0xa9: {  	[sflag:s23] =	ssyncset.done $0x0  }
0xaa: {  	s25 =	simm.s32 $0x1B8E;
	s24 =	sld [smem:$0x3FFE];
	[sflag:s23] =	ssyncadd.s32 $0xFFFFFFFF  }
0xab: {  	s26 =	simm.s32 $execute0_lowered;
	[smem:$0x3FD2] =	sst s25  }
0xac: {  	s5 =	sshll.u32 s26, $0x1;
	_ =	strace $0x8000004F;
	[dreg:$0x1] =	wrdreg $0xFFFFFFFF  }
0xad: {  	s28 =	simm.s32 $_size_execute0_lowered;
	s3 =	sadd.s32 s3, s5;
	[dreg:$0x0] =	wrdreg $0x0  }
0xae: {  	s5 =	sshll.u32 s28, $0x1;
	[dreg:$0x2] =	wrdreg s3  }
0xaf: {  	[dreg:$0x3] =	wrdreg s5  }
0xb0: {  	[dreg:$0x4] =	wrdreg $0xC0  }
0xb1: {  	_ =	task [dreg:s7], $0x5FFFF  }
0xb2: {  	[dreg:$0x1] =	wrdreg $0xFFFFFFFF  }
0xb3: {  	[dreg:$0x0] =	wrdreg $0x60  }
0xb4: {  	[dreg:$0x2] =	wrdreg s16  }
0xb5: {  	[dreg:$0x3] =	wrdreg s24  }
0xb6: {  	[dreg:$0x4] =	wrdreg $0x41000  }
0xb7: {  	[dreg:$0x5] =	wrdreg $0x9  }
0xb8: {  	_ =	task.clear_ibuf [dreg:s7], $0x6FFFF;
	_ =	strace $0x9000004F  }
0xb9: {  	s29 =	simm.s32 $0x9;
	_ =	strace $0x80000051  }
0xba: {  	_ =	swait.ge [sflag:s29], $0x1  }
0xbb: {  	[sflag:s29] =	ssyncadd.s32 $0xFFFFFFFF  }
0xbc: {  	_ =	strace $0x90000051  }
0xbd: {  	_ =	sfence  }
0xbe: {  	s30 =	sld [smem:$0x0];
	_ =	sdelay $0x2  }
0xbf: {  	s31 =	sshll.u32 s1, $0xD;
	s1 =	sshrl.u32 s1, $0x2  }
0xc0: {  	s3 =	sand.u32 $0x4000, s31;
	s1 =	sadd.s32 s1, s30  }
0xc1: {  	s0 =	sor.u32 s3, s0;
	s1 =	sshll.u32 s1, $0x11  }
0xc2: {  	s0 =	sor.u32 s1, s0  }
0xc3: {  	s0 =	sadd.s32 $0x8F2B, s0  }
0xc4: {  	[sflag:s0] =	ssyncadd.remote.s32 $0x1  }
0xc5: {  	_ =	sfence.sel $0xFFFF  }
0xc6: {  	[dreg:$0x0] =	wrdreg $0xFFFFFFFF;
	(pc) =	sbr.abs _section_cstart, $3  }
0xc7: {  	[dreg:$0x1] =	wrdreg $0xFFFFFFFF  }
0xc8: {  	_ =	task.clear_ibuf [dreg:s7], $0x2FFFF;
	_ =	strace $0x9FFFFFFF  }
0xc9: {  	(tm) =	ssettm $0x7FFFFFFF  }
tec
execute0_lowered:
.L_overlay_start_1:
0x0: {  	(tag) =	ssettag $0x1  }
0x1: {  	s0 =	rddreg [dreg:$0x0]  }
0x2: {  	s6 =	rddreg [dreg:$0x1];
	s1 =	srdreg.scid  }
0x3: {  	s3 =	rddreg [dreg:$0x2];
	s2 =	stileid.u32  }
0x4: {  	s4 =	simm.s32 $0x0;
	s14 =	simm.s32 $0x100;
	s8 =	smul.u32 $0x13C00, s2  }
0x5: {  	s15 =	simm.s32 $0x1;
	s16 =	simm.s32 $0x0;
	s9 =	smul.u32 $0x9E0, s2  }
0x6: {  	s7 =	sand.u32 $0x1, s1;
	s1 =	rddreg [dreg:$0x3];
	s10 =	smul.u32 $0x4F000, s2  }
0x7: {  	[smem:$0x7FF] =	sst s4;
	s30 =	sshll.u32 s2, $0x6;
	s5 =	smul.u32 $0x13C000, s7  }
0x8: {  	_ =	strace $0x80000050;
	s29 =	ssub.s32 $0x2, s7;
	s12 =	smul.u32 $0x4F0, s7  }
0x9: {  	s26 =	sadd.s32 s9, s6;
	s11 =	sshrl.u32 s29, $0x1;
	s10 =	sshrl.u32 s10, $0x2  }
0xa: {  	s5 =	sadd.s32 s8, s5;
	s11 =	ssub.s32 s29, s11;
	s13 =	sadd.s32 s10, s3  }
0xb: {  	s31 =	sadd.s32 s12, s26;
	s12 =	simm.s32 $0x2;
	s28 =	sshrl.u32 s5, $0x3  }
0xc: {  	s5 =	sadd.s32 $0x36200, s6;
	s8 =	smax.u32 s11, $0x1;
	s10 =	sadd.s32 $0x5E800, s31  }
0xd: {  	s11 =	sshrl.u32 s13, $0x3;
	s13 =	simm.s32 $0x80;
	s9 =	sadd.s32 s28, s6  }
0xe: {  	s6 =	sor.u32 $0x1C02, s30;
	s7 =	sadd.s32 $0x68600, s9;
	s9 =	sadd.s32 $0x5200, s31  }
.LBB2_1:
0xf: {  	[spmem:s11], [sflag:s6] =	dma.local [hbm:s5], $0x2780  }
0x10: {  	_ =	swait.ge [sflag:s12], $0x2780  }
0x11: {  	[sflag:s12] =	ssyncset.done $0x0  }
0x12: {  	[sflag:s12] =	ssyncadd.s32 $0xFFFFD880  }
0x13: {  	s17 =	sadd.s32 $0x0, s10;
	[bflag:$0x0] =	sbarrier.arrive $0xFFFF  }
0x14: {  	[tilespmem:s4], [sflag:$0x2] =	stream.linear.gather [hbm4b:s17+s4], $0x80, $0x38;
	[tilespmem:$0x17D00] =	vst v63  }
0x15: {  	_ =	swait.ge [sflag:s12], $0x80  }
0x16: {  	[sflag:s12] =	ssyncset.done $0x0  }
0x17: {  	s31 =	sadd.s32 $0x0, s9;
	[sflag:s12] =	ssyncadd.s32 $0xFFFFFF80  }
0x18: {  	[tilespmem:s13], [sflag:$0x2] =	stream.linear.gather [hbm4b:s31+s4], $0x80, $0x38;
	[tilespmem:$0x17D00] =	vst v63  }
0x19: {  	_ =	swait.ge [sflag:s12], $0x80  }
0x1a: {  	[sflag:s12] =	ssyncset.done $0x0  }
0x1b: {  	[sflag:s12] =	ssyncadd.s32 $0xFFFFFF80  }
0x1c: {  	[tilespmem:s14], [sflag:$0x1] =	stream.indirect.gather [hbm4b:s0+s13], $0x80, s4, s13, $0xb8;
	[tilespmem:$0x17D00] =	vst v63  }
0x1d: {  	_ =	swait.ge [sflag:s15], $0x4000  }
0x1e: {  	[sflag:s15] =	ssyncset.done $0x0  }
0x1f: {  	[sflag:s15] =	ssyncadd.s32 $0xFFFFC000  }
0x20: {  	[spmem:s3] =	stream.indirect.scatter.add.f32 [tilespmem:s14], [sflag:$0x2], $0x80, s13, s13, $0xb8;
	[tilespmem:$0x17D00] =	vst v63  }
0x21: {  	_ =	swait.ge [sflag:s12], $0x4000  }
0x22: {  	s18 =	simm.s32 $0x20;
	s17 =	simm.s32 $0x10;
	[sflag:s12] =	ssyncset.done $0x0  }
.LBB2_2:
0x23: {  	s19 =	sadd.s32 s17, s10  }
0x24: {  	[sflag:s12] =	ssyncadd.s32 $0xFFFFC000;
	s20 =	smov.u32 s18;
	s21 =	sadd.s32 $0x10, s18  }
0x25: {  	[tilespmem:s4], [sflag:$0x2] =	stream.linear.gather [hbm4b:s19+s4], $0x80, $0x38;
	[tilespmem:$0x17D00] =	vst v63  }
0x26: {  	p0 =	sne.s32 s18, $0x4E0;
	_ =	swait.ge [sflag:s12], $0x80  }
0x27: {  	[sflag:s12] =	ssyncset.done $0x0  }
0x28: {  	s18 =	sadd.s32 s17, s9;
	s17 =	smov.u32 s20;
	[sflag:s12] =	ssyncadd.s32 $0xFFFFFF80  }
0x29: {  	[tilespmem:s13], [sflag:$0x2] =	stream.linear.gather [hbm4b:s18+s4], $0x80, $0x38;
	[tilespmem:$0x17D00] =	vst v63  }
0x2a: {  	_ =	swait.ge [sflag:s12], $0x80  }
0x2b: {  	[sflag:s12] =	ssyncset.done $0x0  }
0x2c: {  	[sflag:s12] =	ssyncadd.s32 $0xFFFFFF80  }
0x2d: {  	[tilespmem:s14], [sflag:$0x1] =	stream.indirect.gather [hbm4b:s0+s13], $0x80, s4, s13, $0xb8;
	[tilespmem:$0x17D00] =	vst v63  }
0x2e: {  	_ =	swait.ge [sflag:s15], $0x4000  }
.Ltmp0:
0x2f: {  	[sflag:s15] =	ssyncset.done $0x0;
	(pc) =	sbr.rel @p0 .LBB2_2-.Ltmp0, $4  }
0x30: {  	[sflag:s15] =	ssyncadd.s32 $0xFFFFC000  }
0x31: {  	[spmem:s3] =	stream.indirect.scatter.add.f32 [tilespmem:s14], [sflag:$0x2], $0x80, s13, s13, $0xb8;
	[tilespmem:$0x17D00] =	vst v63  }
0x32: {  	_ =	swait.ge [sflag:s12], $0x4000  }
0x33: {  	s18 =	smov.u32 s21;
	[sflag:s12] =	ssyncset.done $0x0  }
0x34: {  	s18 =	sadd.s32 s17, s10;
	[sflag:s12] =	ssyncadd.s32 $0xFFFFC000  }
0x35: {  	[tilespmem:s4], [sflag:$0x2] =	stream.linear.gather [hbm4b:s18+s4], $0x80, $0x38;
	[tilespmem:$0x17D00] =	vst v63  }
0x36: {  	_ =	swait.ge [sflag:s12], $0x80  }
0x37: {  	[sflag:s12] =	ssyncset.done $0x0  }
0x38: {  	s31 =	sadd.s32 s17, s9;
	[sflag:s12] =	ssyncadd.s32 $0xFFFFFF80  }
0x39: {  	[tilespmem:s13], [sflag:$0x2] =	stream.linear.gather [hbm4b:s31+s4], $0x80, $0x38;
	[tilespmem:$0x17D00] =	vst v63  }
0x3a: {  	_ =	swait.ge [sflag:s12], $0x80  }
0x3b: {  	[sflag:s12] =	ssyncset.done $0x0  }
0x3c: {  	[sflag:s12] =	ssyncadd.s32 $0xFFFFFF80  }
0x3d: {  	[tilespmem:s14], [sflag:$0x1] =	stream.indirect.gather [hbm4b:s0+s13], $0x80, s4, s13, $0xb8;
	[tilespmem:$0x17D00] =	vst v63  }
0x3e: {  	_ =	swait.ge [sflag:s15], $0x4000  }
0x3f: {  	[sflag:s15] =	ssyncset.done $0x0  }
0x40: {  	[sflag:s15] =	ssyncadd.s32 $0xFFFFC000  }
0x41: {  	[spmem:s3] =	stream.indirect.scatter.add.f32 [tilespmem:s14], [sflag:$0x2], $0x80, s13, s13, $0xb8;
	[tilespmem:$0x17D00] =	vst v63  }
0x42: {  	_ =	swait.ge [sflag:s12], $0x4000  }
0x43: {  	s16 =	sadd.s32 $0x1, s16;
	[sflag:s12] =	ssyncset.done $0x0  }
0x44: {  	p0 =	sne.s32 s16, s8;
	[sflag:s12] =	ssyncadd.s32 $0xFFFFC000  }
.Ltmp1:
0x45: {  	[bflag:$0x0] =	sbarrier.arrive $0xFFFF;
	(pc) =	sbr.rel @p0 .LBB2_1-.Ltmp1, $4  }
0x46: {  	[hbm:s7], [sflag:s6] =	dma.local [spmem:s11], $0x2780  }
0x47: {  	_ =	swait.ge [sflag:s12], $0x2780  }
0x48: {  	[sflag:s12] =	ssyncset.done $0x0  }
0x49: {  	[sflag:s12] =	ssyncadd.s32 $0xFFFFD880  }
0x4a: {  	_ =	sfence.sel $0x180000  }
0x4b: {  	[bflag:$0x0] =	sbarrier.arrive $0xFFFF  }
0x4c: {  	p0 =	sne.s32 s2, $0x0;
	_ =	strace $0x90000050  }
0x4d: {  	s0 =	sadd.s32 @!p0 $0x100000, s1;
	[bflag:$0x2] =	sbarrier.arrive $0xFFFF  }
0x4e: {  	[sflag:s0] =	ssyncadd.tile.s32 @!p0 $0x1;
	_ =	shalt  }
.Lfunc_end2:
_tile_overlayer_lowered:
.L_overlay_start_2:
0x4f: {  	(tag) =	ssettag $0x2  }
0x50: {  	s0 =	rddreg [dreg:$0x0];
	s2 =	stileid.u32  }
0x51: {  	s1 =	rddreg [dreg:$0x1];
	p0 =	sne.s32 s2, $0x0  }
0x52: {  	s3 =	rddreg [dreg:$0x2];
	[bflag:$0x3] =	sbarrier.arrive $0xFFFF;
	s2 =	simm.s32 @!p0 $0x1C02  }
0x53: {  	[timem:s3], [sflag:s2] =	dma.local @!p0 [hbm:s0], s1  }
0x54: {  	s0 =	simm.s32 @!p0 $0x2  }
0x55: {  	_ =	swait.ge @!p0 [sflag:s0], s1  }
0x56: {  	s1 =	ssub.s32 @!p0 $0x0, s1;
	[sflag:s0] =	ssyncset.done @!p0 $0x0  }
0x57: {  	[sflag:s0] =	ssyncadd.s32 @!p0 s1  }
0x58: {  	[bflag:$0x3] =	sbarrier.arrive $0xFFFF  }
0x59: {  	_ =	shalt  }

</sc_bundles>
